<compile_context>
chip_gen: v7x
topology: tpu7x:2x2x1
jax: 0.10.2.dev20260603
libtpu: 0.0.44.dev20260713+nightly
codegen_flags: <defaults>
</compile_context>

<pallas_src>
import functools

import jax
import jax.numpy as jnp
from jax import lax
from jax.experimental import pallas as pl
from jax.experimental.pallas import tpu as pltpu
from jax.experimental.pallas import tpu_sc as plsc

_NF = 26
_ND = 13
_D = 16
_NSLOT = _NF + _ND
_FIELD_SIZE = 40000
_NW = 32
_CHUNK = 128


def _body(spf_hbm, dx_hbm, lin_hbm, lw_hbm, embp_hbm, ew_hbm,
          v1_hbm, v2_hbm,
          spf_v, dx_v, ew_v, lw_v, idx2_v, pb_v, lin_v, out_v, v1_v,
          sem_e, sem_l, sem_w):
    spw = spf_v.shape[0] // _NF
    nchunk = spw // _CHUNK
    wid = lax.axis_index("s") * 2 + lax.axis_index("c")
    vocab = _NF * _FIELD_SIZE
    emb_dhi = (vocab // 128) * 1024
    nbatch = spw * _NW
    v2_slot = (nbatch // 128) * 2 * 1024
    v2_dhi = (nbatch // 128) * 1024

    pltpu.sync_copy(spf_hbm.at[pl.ds(wid * spw * _NF, spw * _NF)], spf_v)
    pltpu.sync_copy(dx_hbm.at[pl.ds(wid * spw * _ND, spw * _ND)], dx_v)
    pltpu.sync_copy(ew_hbm, ew_v)
    pltpu.sync_copy(lw_hbm, lw_v)

    lanes = lax.iota(jnp.int32, 16)
    lw_reg = lw_v[pl.ds(0, 16)]

    def chunk_body(c, _):
        base = wid * spw + c * _CHUNK

        @pl.when(c > 0)
        def _():
            pltpu.make_async_copy(
                out_v, v2_hbm.at[pl.ds(0, _NSLOT * 2048)], sem_w).wait()
            pltpu.make_async_copy(v1_v, v1_hbm.at[pl.ds(0, _CHUNK)], sem_w).wait()

        def build(t, _):
            f = t // (_CHUNK // 16)
            g = t - f * (_CHUNK // 16)
            n0 = g * 16
            rvec = spf_v[pl.ds(f * spw + c * _CHUNK + n0, 16)] + f * _FIELD_SIZE
            idx2_v[f, pl.ds(n0, 16)] = rvec
            pvec = (rvec >> 7) * 1024 + (rvec & 127)
            o0 = f * 2048 + n0
            for d in range(_D):
                pltpu.make_async_copy(
                    embp_hbm.at[pvec + ((d >> 3) * emb_dhi + (d & 7) * 128)],
                    out_v.at[pl.ds(o0 + (d >> 3) * 1024 + (d & 7) * 128, 16)],
                    sem_e).start()
            return 0
        lax.fori_loop(0, _NF * (_CHUNK // 16), build, 0)

        def fire_lin(f, _):
            pltpu.make_async_copy(
                lin_hbm.at[idx2_v.at[f]], lin_v.at[f], sem_l).start()
            return 0
        lax.fori_loop(0, _NF, fire_lin, 0)

        def dense(t, _):
            j = t // (_CHUNK // 16)
            g = t - j * (_CHUNK // 16)
            n0 = g * 16
            dvec = dx_v[pl.ds(j * spw + c * _CHUNK + n0, 16)]
            erow = ew_v[pl.ds(j * _D, 16)]
            o0 = (_NF + j) * 2048 + n0
            for d in range(_D):
                out_v[pl.ds(o0 + (d >> 3) * 1024 + (d & 7) * 128, 16)] = (
                    dvec * erow[d])
            return 0
        lax.fori_loop(0, _ND * (_CHUNK // 16), dense, 0)

        def drain_lin(f, _):
            pltpu.make_async_copy(
                lin_hbm.at[idx2_v.at[f]], lin_v.at[f], sem_l).wait()
            return 0
        lax.fori_loop(0, _NF, drain_lin, 0)

        def v1red(g, _):
            n0 = g * 16
            acc = jnp.zeros((16,), jnp.float32)
            for f in range(_NF):
                acc = acc + lin_v[f, pl.ds(n0, 16)]
            for j in range(_ND):
                acc = acc + dx_v[pl.ds(j * spw + c * _CHUNK + n0, 16)] * lw_reg[j]
            v1_v[pl.ds(n0, 16)] = acc
            return 0
        lax.fori_loop(0, _CHUNK // 16, v1red, 0)

        pltpu.make_async_copy(
            v2_hbm.at[pl.ds(0, _NF * 2048)],
            out_v.at[pl.ds(0, _NF * 2048)], sem_e).wait()

        def wseg(s2, _):
            s = s2 >> 1
            dhi = s2 & 1
            pltpu.make_async_copy(
                out_v.at[pl.ds(s * 2048 + dhi * 1024, 1024)],
                v2_hbm.at[pl.ds(s * v2_slot + dhi * v2_dhi + base * 8, 1024)],
                sem_w).start()
            return 0
        lax.fori_loop(0, _NSLOT * 2, wseg, 0)
        pltpu.make_async_copy(v1_v, v1_hbm.at[pl.ds(base, _CHUNK)],
                              sem_w).start()
        return 0

    lax.fori_loop(0, nchunk, chunk_body, 0)
    pltpu.make_async_copy(
        out_v, v2_hbm.at[pl.ds(0, _NSLOT * 2048)], sem_w).wait()
    pltpu.make_async_copy(v1_v, v1_hbm.at[pl.ds(0, _CHUNK)], sem_w).wait()


def kernel(sparse_x, dense_x, lin_table, lin_w, emb_table, emb_w):
    n = sparse_x.shape[0]
    spw = n // _NW
    vocab = emb_table.shape[0]
    spf_flat = sparse_x.reshape(_NW, spw, _NF).transpose(0, 2, 1).reshape(-1)
    dx_flat = dense_x.reshape(_NW, spw, _ND).transpose(0, 2, 1).reshape(-1)
    lin_flat = lin_table.reshape(-1)
    lw = jnp.pad(lin_w.reshape(-1), (0, 16 - _ND))
    ew = emb_w.reshape(-1)
    emb_phys = (emb_table.T.reshape(2, 8, vocab // 128, 128)
                .transpose(0, 2, 1, 3).reshape(-1))

    mesh = plsc.VectorSubcoreMesh(core_axis_name="c", subcore_axis_name="s")
    run = functools.partial(
        pl.kernel,
        out_type=[
            jax.ShapeDtypeStruct((n,), jnp.float32),
            jax.ShapeDtypeStruct((n * _NSLOT * _D,), jnp.float32),
        ],
        mesh=mesh,
        compiler_params=pltpu.CompilerParams(use_tc_tiling_on_sc=False),
        scratch_types=[
            pltpu.VMEM((spw * _NF,), jnp.int32),
            pltpu.VMEM((spw * _ND,), jnp.float32),
            pltpu.VMEM((_ND * _D,), jnp.float32),
            pltpu.VMEM((16,), jnp.float32),
            pltpu.VMEM((_NF, _CHUNK), jnp.int32),
            pltpu.VMEM((_NF, _CHUNK), jnp.int32),
            pltpu.VMEM((_NF, _CHUNK), jnp.float32),
            pltpu.VMEM((_NSLOT * 2048,), jnp.float32),
            pltpu.VMEM((_CHUNK,), jnp.float32),
            pltpu.SemaphoreType.DMA,
            pltpu.SemaphoreType.DMA,
            pltpu.SemaphoreType.DMA,
        ],
    )(_body)
    v1, v2f = run(spf_flat, dx_flat, lin_flat, lw, emb_phys, ew)
    v2 = (v2f.reshape(_NSLOT, 2, n // 128, 8, 128)
          .transpose(2, 4, 0, 1, 3).reshape(n, _NSLOT, _D))
    return v1, v2

# --- scband reference (transcript-rebuilt; emitter-appended) ---
"""Pipeline reference for scband-side-fmvector-base-module-33689723470095 (READ-ONLY COPY).

The authoritative reference and input builder live on the scoring server;
editing this copy changes nothing except your own understanding.
"""

import jax, jax.numpy as jnp
import numpy as np

SPARSE_FIELD_NUMS = [40000] * 26
DENSE_NUM_FIELD = 13
EMBED_DIM = 16
BATCH = 16384
TOTAL_VOCAB = int(sum(SPARSE_FIELD_NUMS))
OFFSETS = jnp.asarray(np.concatenate([[0], np.cumsum(SPARSE_FIELD_NUMS)[:-1]]).astype(np.int32))


def setup_inputs(seed: int = 0):
    key = jax.random.key(seed)
    k1, k2, k3, k4, k5, k6 = jax.random.split(key, 6)
    sparse_x = jax.random.randint(k1, (BATCH, 26), 0, 40000, dtype=jnp.int32)
    dense_x = jax.random.normal(k2, (BATCH, DENSE_NUM_FIELD), dtype=jnp.float32)
    lin_table = jax.random.normal(k3, (TOTAL_VOCAB, 1), dtype=jnp.float32)
    lin_w = jax.random.normal(k4, (1, DENSE_NUM_FIELD, 1), dtype=jnp.float32)
    emb_table = jax.random.normal(k5, (TOTAL_VOCAB, EMBED_DIM), dtype=jnp.float32)
    emb_w = jax.random.normal(k6, (1, DENSE_NUM_FIELD, EMBED_DIM), dtype=jnp.float32)
    return {"sparse_x": sparse_x, "dense_x": dense_x, "lin_table": lin_table,
            "lin_w": lin_w, "emb_table": emb_table, "emb_w": emb_w}


def reference(sparse_x, dense_x, lin_table, lin_w, emb_table, emb_w):
    # SparseEmbedding: add per-field offsets, then embedding gather
    idx = sparse_x + OFFSETS[None, :]
    # first-order (linear) terms
    v1_sparse = jnp.take(lin_table, idx, axis=0).squeeze(-1).sum(axis=1)          # [N]
    v1_dense = (lin_w * dense_x[:, :, None]).squeeze(-1).sum(axis=1)              # [N]
    v1 = v1_sparse + v1_dense
    # second-order embeddings
    v2_sparse = jnp.take(emb_table, idx, axis=0)                                  # [N, 26, D]
    v2_dense = emb_w * dense_x[:, :, None]                                        # [N, 13, D]
    v2 = jnp.concatenate([v2_sparse, v2_dense], axis=1)                           # [N, 39, D]
    return (v1, v2)

if __name__ == "__main__":
    import jax
    _d = setup_inputs()
    print(jax.jit(kernel)(*tuple(_d.values())))

</pallas_src>

<mosaic_0001>
#map = affine_map<(d0, d1) -> (0)>
module attributes {stable_mosaic.version = 14 : i64} {
  func.func @_body(%arg0: i32, %arg1: i32, %arg2: memref<425984xi32, #tpu.memory_space<hbm>>, %arg3: memref<212992xf32, #tpu.memory_space<hbm>>, %arg4: memref<1040000xf32, #tpu.memory_space<hbm>>, %arg5: memref<16xf32, #tpu.memory_space<hbm>>, %arg6: memref<16640000xf32, #tpu.memory_space<hbm>>, %arg7: memref<208xf32, #tpu.memory_space<hbm>>, %arg8: memref<16384xf32, #tpu.memory_space<hbm>>, %arg9: memref<10223616xf32, #tpu.memory_space<hbm>>, %arg10: memref<13312xi32, #tpu.memory_space<vmem>>, %arg11: memref<6656xf32, #tpu.memory_space<vmem>>, %arg12: memref<208xf32, #tpu.memory_space<vmem>>, %arg13: memref<16xf32, #tpu.memory_space<vmem>>, %arg14: memref<26x128xi32, #tpu.memory_space<vmem>>, %arg15: memref<26x128xi32, #tpu.memory_space<vmem>>, %arg16: memref<26x128xf32, #tpu.memory_space<vmem>>, %arg17: memref<79872xf32, #tpu.memory_space<vmem>>, %arg18: memref<128xf32, #tpu.memory_space<vmem>>, %arg19: memref<!tpu.dma_semaphore, #tpu.memory_space<semaphore_mem>>, %arg20: memref<!tpu.dma_semaphore, #tpu.memory_space<semaphore_mem>>, %arg21: memref<!tpu.dma_semaphore, #tpu.memory_space<semaphore_mem>>) attributes {dimension_semantics = [#tpu.dimension_semantics<core_parallel>, #tpu.dimension_semantics<subcore_parallel>], iteration_bounds = array<i64: 2, 16>, scalar_prefetch = 0 : i64, scratch_operands = 12 : i64, tpu.core_type = #tpu.core_type<sc_vector_subcore>, window_params = [{transform_indices = #map}, {transform_indices = #map}, {transform_indices = #map}, {transform_indices = #map}, {transform_indices = #map}, {transform_indices = #map}, {transform_indices = #map}, {transform_indices = #map}]} {
    %mul3A = arith.constant 2 : i32
    %mul3A_0 = arith.muli %arg1, %mul3A : i32
    %add3A = arith.addi %mul3A_0, %arg0 : i32
    %mul3A_1 = arith.constant 512 : i32
    %mul3A_2 = arith.muli %add3A, %mul3A_1 : i32
    %mul3A_3 = arith.constant 26 : i32
    %mul3A_4 = arith.muli %mul3A_2, %mul3A_3 : i32
    "tpu.region"() ({
      %run_scoped3A = tpu.sem_alloc : memref<!tpu.dma_semaphore, #tpu.memory_space<semaphore_mem>>
      %dma_start3A = tpu.memref_slice %arg2[%mul3A_4] : memref<425984xi32, #tpu.memory_space<hbm>> -> memref<13312xi32, #tpu.memory_space<hbm>>
      %dma_start3A_24 = tpu.memref_slice %arg2[%mul3A_4] : memref<425984xi32, #tpu.memory_space<hbm>> -> memref<13312xi32, #tpu.memory_space<hbm>>
      tpu.enqueue_dma source(%dma_start3A_24 : memref<13312xi32, #tpu.memory_space<hbm>>) target(%arg10 : memref<13312xi32, #tpu.memory_space<vmem>>) target_semaphore(%run_scoped3A : memref<!tpu.dma_semaphore, #tpu.memory_space<semaphore_mem>>)
      %dma_wait3A_25 = tpu.memref_slice %arg2[%mul3A_4] : memref<425984xi32, #tpu.memory_space<hbm>> -> memref<13312xi32, #tpu.memory_space<hbm>>
      %dma_wait3A_26 = tpu.memref_slice %arg2[%mul3A_4] : memref<425984xi32, #tpu.memory_space<hbm>> -> memref<13312xi32, #tpu.memory_space<hbm>>
      tpu.wait_dma2 semaphore(%run_scoped3A : memref<!tpu.dma_semaphore, #tpu.memory_space<semaphore_mem>>) src(%dma_wait3A_26 : memref<13312xi32, #tpu.memory_space<hbm>>) dst(%arg10 : memref<13312xi32, #tpu.memory_space<vmem>>)
      tpu.yield
    }) : () -> ()
    %mul3A_5 = arith.constant 512 : i32
    %mul3A_6 = arith.muli %add3A, %mul3A_5 : i32
    %mul3A_7 = arith.constant 13 : i32
    %mul3A_8 = arith.muli %mul3A_6, %mul3A_7 : i32
    "tpu.region"() ({
      %run_scoped3A = tpu.sem_alloc : memref<!tpu.dma_semaphore, #tpu.memory_space<semaphore_mem>>
      %dma_start3A = tpu.memref_slice %arg3[%mul3A_8] : memref<212992xf32, #tpu.memory_space<hbm>> -> memref<6656xf32, #tpu.memory_space<hbm>>
      %dma_start3A_24 = tpu.memref_slice %arg3[%mul3A_8] : memref<212992xf32, #tpu.memory_space<hbm>> -> memref<6656xf32, #tpu.memory_space<hbm>>
      tpu.enqueue_dma source(%dma_start3A_24 : memref<6656xf32, #tpu.memory_space<hbm>>) target(%arg11 : memref<6656xf32, #tpu.memory_space<vmem>>) target_semaphore(%run_scoped3A : memref<!tpu.dma_semaphore, #tpu.memory_space<semaphore_mem>>)
      %dma_wait3A_25 = tpu.memref_slice %arg3[%mul3A_8] : memref<212992xf32, #tpu.memory_space<hbm>> -> memref<6656xf32, #tpu.memory_space<hbm>>
      %dma_wait3A_26 = tpu.memref_slice %arg3[%mul3A_8] : memref<212992xf32, #tpu.memory_space<hbm>> -> memref<6656xf32, #tpu.memory_space<hbm>>
      tpu.wait_dma2 semaphore(%run_scoped3A : memref<!tpu.dma_semaphore, #tpu.memory_space<semaphore_mem>>) src(%dma_wait3A_26 : memref<6656xf32, #tpu.memory_space<hbm>>) dst(%arg11 : memref<6656xf32, #tpu.memory_space<vmem>>)
      tpu.yield
    }) : () -> ()
    "tpu.region"() ({
      %run_scoped3A = tpu.sem_alloc : memref<!tpu.dma_semaphore, #tpu.memory_space<semaphore_mem>>
      tpu.enqueue_dma source(%arg7 : memref<208xf32, #tpu.memory_space<hbm>>) target(%arg12 : memref<208xf32, #tpu.memory_space<vmem>>) target_semaphore(%run_scoped3A : memref<!tpu.dma_semaphore, #tpu.memory_space<semaphore_mem>>)
      tpu.wait_dma2 semaphore(%run_scoped3A : memref<!tpu.dma_semaphore, #tpu.memory_space<semaphore_mem>>) src(%arg7 : memref<208xf32, #tpu.memory_space<hbm>>) dst(%arg12 : memref<208xf32, #tpu.memory_space<vmem>>)
      tpu.yield
    }) : () -> ()
    "tpu.region"() ({
      %run_scoped3A = tpu.sem_alloc : memref<!tpu.dma_semaphore, #tpu.memory_space<semaphore_mem>>
      tpu.enqueue_dma source(%arg5 : memref<16xf32, #tpu.memory_space<hbm>>) target(%arg13 : memref<16xf32, #tpu.memory_space<vmem>>) target_semaphore(%run_scoped3A : memref<!tpu.dma_semaphore, #tpu.memory_space<semaphore_mem>>)
      tpu.wait_dma2 semaphore(%run_scoped3A : memref<!tpu.dma_semaphore, #tpu.memory_space<semaphore_mem>>) src(%arg5 : memref<16xf32, #tpu.memory_space<hbm>>) dst(%arg13 : memref<16xf32, #tpu.memory_space<vmem>>)
      tpu.yield
    }) : () -> ()
    %iota3A = tpu.iota {dimensions = array<i32: 0>} : vector<16xi32>
    %get3A = arith.constant 0 : index
    %get3A_9 = tpu.vector_load %arg13[%get3A] {strides = array<i32>} : memref<16xf32, #tpu.memory_space<vmem>>, vector<16xf32>,
    %get3A_10 = vector.shape_cast %get3A_9 : vector<16xf32> to vector<16xf32>
    %scan3A = arith.constant 0 : i32
    %scan3A_11 = arith.constant 0 : i32
    %scan3A_12 = arith.constant 4 : i32
    %scan3A_13 = arith.addi %scan3A_11, %scan3A_12 : i32
    %scan3A_14 = arith.constant 1 : i32
    %scan3A_15 = scf.for %scan3A_24 = %scan3A_11 to %scan3A_13 step %scan3A_14 iter_args(%scan3A_25 = %scan3A) -> (i32)  : i32 {
      %mul3A_26 = arith.constant 512 : i32
      %mul3A_27 = arith.muli %add3A, %mul3A_26 : i32
      %mul3A_28 = arith.constant 128 : i32
      %mul3A_29 = arith.muli %scan3A_24, %mul3A_28 : i32
      %add3A_30 = arith.addi %mul3A_27, %mul3A_29 : i32
      %gt3A = arith.constant 0 : i32
      %gt3A_31 = arith.cmpi sgt, %scan3A_24, %gt3A : i32
      %convert_element_type3A = arith.extui %gt3A_31 : i1 to i32
      %cond3A = arith.constant 0 : i32
      %cond3A_32 = arith.cmpi ne, %convert_element_type3A, %cond3A : i32
      scf.if %cond3A_32 {
        %dma_wait3A_85 = arith.constant 0 : i32
        %dma_wait3A_86 = tpu.memref_slice %arg9[%dma_wait3A_85] : memref<10223616xf32, #tpu.memory_space<hbm>> -> memref<79872xf32, #tpu.memory_space<hbm>>
        %dma_wait3A_87 = arith.constant 0 : i32
        %dma_wait3A_88 = tpu.memref_slice %arg9[%dma_wait3A_87] : memref<10223616xf32, #tpu.memory_space<hbm>> -> memref<79872xf32, #tpu.memory_space<hbm>>
        tpu.wait_dma2 semaphore(%arg21 : memref<!tpu.dma_semaphore, #tpu.memory_space<semaphore_mem>>) src(%arg17 : memref<79872xf32, #tpu.memory_space<vmem>>) dst(%dma_wait3A_88 : memref<79872xf32, #tpu.memory_space<hbm>>)
        %dma_wait3A_89 = arith.constant 0 : i32
        %dma_wait3A_90 = tpu.memref_slice %arg8[%dma_wait3A_89] : memref<16384xf32, #tpu.memory_space<hbm>> -> memref<128xf32, #tpu.memory_space<hbm>>
        %dma_wait3A_91 = arith.constant 0 : i32
        %dma_wait3A_92 = tpu.memref_slice %arg8[%dma_wait3A_91] : memref<16384xf32, #tpu.memory_space<hbm>> -> memref<128xf32, #tpu.memory_space<hbm>>
        tpu.wait_dma2 semaphore(%arg21 : memref<!tpu.dma_semaphore, #tpu.memory_space<semaphore_mem>>) src(%arg18 : memref<128xf32, #tpu.memory_space<vmem>>) dst(%dma_wait3A_92 : memref<128xf32, #tpu.memory_space<hbm>>)
      } else {
      }
      %scan3A_33 = arith.constant 0 : i32
      %scan3A_34 = arith.constant 0 : i32
      %scan3A_35 = arith.constant 208 : i32
      %scan3A_36 = arith.addi %scan3A_34, %scan3A_35 : i32
      %scan3A_37 = arith.constant 1 : i32
      %scan3A_38 = scf.for %scan3A_85 = %scan3A_34 to %scan3A_36 step %scan3A_37 iter_args(%scan3A_86 = %scan3A_33) -> (i32)  : i32 {
        %jit3A = arith.constant 8 : i32
        %div3A = arith.divsi %scan3A_85, %jit3A : i32
        %sign3A = arith.constant 0 : i32
        %sign3A_87 = arith.cmpi sgt, %scan3A_85, %sign3A : i32
        %sign3A_88 = arith.extui %sign3A_87 : i1 to i32
        %sign3A_89 = arith.constant 0 : i32
        %sign3A_90 = arith.cmpi slt, %scan3A_85, %sign3A_89 : i32
        %sign3A_91 = arith.extui %sign3A_90 : i1 to i32
        %sign3A_92 = arith.subi %sign3A_88, %sign3A_91 : i32
        %sign3A_93 = arith.constant 0 : i32
        %sign3A_94 = arith.cmpi sgt, %jit3A, %sign3A_93 : i32
        %sign3A_95 = arith.extui %sign3A_94 : i1 to i32
        %sign3A_96 = arith.constant 0 : i32
        %sign3A_97 = arith.cmpi slt, %jit3A, %sign3A_96 : i32
        %sign3A_98 = arith.extui %sign3A_97 : i1 to i32
        %sign3A_99 = arith.subi %sign3A_95, %sign3A_98 : i32
        %ne3A = arith.cmpi ne, %sign3A_92, %sign3A_99 : i32
        %rem3A = arith.remsi %scan3A_85, %jit3A : i32
        %ne3A_100 = arith.constant 0 : i32
        %ne3A_101 = arith.cmpi ne, %rem3A, %ne3A_100 : i32
        %and3A = arith.andi %ne3A, %ne3A_101 : i1
        %sub3A = arith.constant 1 : i32
        %sub3A_102 = arith.subi %div3A, %sub3A : i32
        %select_n3A = arith.select %and3A, %sub3A_102, %div3A : i32
        %mul3A_103 = arith.constant 8 : i32
        %mul3A_104 = arith.muli %select_n3A, %mul3A_103 : i32
        %sub3A_105 = arith.subi %scan3A_85, %mul3A_104 : i32
        %mul3A_106 = arith.constant 16 : i32
        %mul3A_107 = arith.muli %sub3A_105, %mul3A_106 : i32
        %mul3A_108 = arith.constant 512 : i32
        %mul3A_109 = arith.muli %select_n3A, %mul3A_108 : i32
        %mul3A_110 = arith.constant 128 : i32
        %mul3A_111 = arith.muli %scan3A_24, %mul3A_110 : i32
        %add3A_112 = arith.addi %mul3A_109, %mul3A_111 : i32
        %add3A_113 = arith.addi %add3A_112, %mul3A_107 : i32
        %get3A_114 = arith.index_cast %add3A_113 : i32 to index
        %get3A_115 = tpu.vector_load %arg10[%get3A_114] {strides = array<i32>} : memref<13312xi32, #tpu.memory_space<vmem>>, vector<16xi32>,
        %get3A_116 = vector.shape_cast %get3A_115 : vector<16xi32> to vector<16xi32>
        %mul3A_117 = arith.constant 40000 : i32
        %mul3A_118 = arith.muli %select_n3A, %mul3A_117 : i32
        %add3A_119 = vector.broadcast %mul3A_118 : i32 to vector<16xi32>
        %add3A_120 = arith.addi %get3A_116, %add3A_119 : vector<16xi32>
        %swap3A = arith.index_cast %select_n3A : i32 to index
        %swap3A_121 = arith.index_cast %mul3A_107 : i32 to index
        %swap3A_122 = tpu.vector_load %arg14[%swap3A, %swap3A_121] {strides = array<i32>} : memref<26x128xi32, #tpu.memory_space<vmem>>, vector<1x16xi32>,
        %swap3A_123 = vector.shape_cast %swap3A_122 : vector<1x16xi32> to vector<16xi32>
        %swap3A_124 = vector.shape_cast %add3A_120 : vector<16xi32> to vector<1x16xi32>
        tpu.vector_store %arg14[%swap3A, %swap3A_121], %swap3A_124 {strides = array<i32>} : memref<26x128xi32, #tpu.memory_space<vmem>>, vector<1x16xi32>,
        %shift_right_arithmetic3A = arith.constant 7 : i32
        %shift_right_arithmetic3A_125 = vector.broadcast %shift_right_arithmetic3A : i32 to vector<16xi32>
        %shift_right_arithmetic3A_126 = arith.shrsi %add3A_120, %shift_right_arithmetic3A_125 : vector<16xi32>
        %mul3A_127 = arith.constant 1024 : i32
        %mul3A_128 = vector.broadcast %mul3A_127 : i32 to vector<16xi32>
        %mul3A_129 = arith.muli %shift_right_arithmetic3A_126, %mul3A_128 : vector<16xi32>
        %and3A_130 = arith.constant 127 : i32
        %and3A_131 = vector.broadcast %and3A_130 : i32 to vector<16xi32>
        %and3A_132 = arith.andi %add3A_120, %and3A_131 : vector<16xi32>
        %add3A_133 = arith.addi %mul3A_129, %and3A_132 : vector<16xi32>
        %mul3A_134 = arith.constant 2048 : i32
        %mul3A_135 = arith.muli %select_n3A, %mul3A_134 : i32
        %add3A_136 = arith.addi %mul3A_135, %mul3A_107 : i32
        %add3A_137 = arith.constant 0 : i32
        %add3A_138 = vector.broadcast %add3A_137 : i32 to vector<16xi32>
        %add3A_139 = arith.addi %add3A_133, %add3A_138 : vector<16xi32>
        %add3A_140 = arith.constant 0 : i32
        %add3A_141 = arith.addi %add3A_136, %add3A_140 : i32
        %add3A_142 = arith.constant 0 : i32
        %add3A_143 = arith.addi %add3A_141, %add3A_142 : i32
        %dma_start3A_144 = tpu.memref_slice %arg17[%add3A_143] : memref<79872xf32, #tpu.memory_space<vmem>> -> memref<16xf32, #tpu.memory_space<vmem>>
        %dma_start3A_145 = arith.constant 0 : i32
        %dma_start3A_146 = tpu.memref_slice %arg6[%dma_start3A_145] : memref<16640000xf32, #tpu.memory_space<hbm>> -> memref<16640000xf32, #tpu.memory_space<hbm>>
        tpu.enqueue_indirect_dma source(%dma_start3A_146 : memref<16640000xf32, #tpu.memory_space<hbm>>) target(%dma_start3A_144 : memref<16xf32, #tpu.memory_space<vmem>>) offsets(%add3A_139 : vector<16xi32>) semaphore(%arg19 : memref<!tpu.dma_semaphore, #tpu.memory_space<semaphore_mem>>)
        %add3A_147 = arith.constant 128 : i32
        %add3A_148 = vector.broadcast %add3A_147 : i32 to vector<16xi32>
        %add3A_149 = arith.addi %add3A_133, %add3A_148 : vector<16xi32>
        %add3A_150 = arith.constant 0 : i32
        %add3A_151 = arith.addi %add3A_136, %add3A_150 : i32
        %add3A_152 = arith.constant 128 : i32
        %add3A_153 = arith.addi %add3A_151, %add3A_152 : i32
        %dma_start3A_154 = tpu.memref_slice %arg17[%add3A_153] : memref<79872xf32, #tpu.memory_space<vmem>> -> memref<16xf32, #tpu.memory_space<vmem>>
        %dma_start3A_155 = arith.constant 0 : i32
        %dma_start3A_156 = tpu.memref_slice %arg6[%dma_start3A_155] : memref<16640000xf32, #tpu.memory_space<hbm>> -> memref<16640000xf32, #tpu.memory_space<hbm>>
        tpu.enqueue_indirect_dma source(%dma_start3A_156 : memref<16640000xf32, #tpu.memory_space<hbm>>) target(%dma_start3A_154 : memref<16xf32, #tpu.memory_space<vmem>>) offsets(%add3A_149 : vector<16xi32>) semaphore(%arg19 : memref<!tpu.dma_semaphore, #tpu.memory_space<semaphore_mem>>)
        %add3A_157 = arith.constant 256 : i32
        %add3A_158 = vector.broadcast %add3A_157 : i32 to vector<16xi32>
        %add3A_159 = arith.addi %add3A_133, %add3A_158 : vector<16xi32>
        %add3A_160 = arith.constant 0 : i32
        %add3A_161 = arith.addi %add3A_136, %add3A_160 : i32
        %add3A_162 = arith.constant 256 : i32
        %add3A_163 = arith.addi %add3A_161, %add3A_162 : i32
        %dma_start3A_164 = tpu.memref_slice %arg17[%add3A_163] : memref<79872xf32, #tpu.memory_space<vmem>> -> memref<16xf32, #tpu.memory_space<vmem>>
        %dma_start3A_165 = arith.constant 0 : i32
        %dma_start3A_166 = tpu.memref_slice %arg6[%dma_start3A_165] : memref<16640000xf32, #tpu.memory_space<hbm>> -> memref<16640000xf32, #tpu.memory_space<hbm>>
        tpu.enqueue_indirect_dma source(%dma_start3A_166 : memref<16640000xf32, #tpu.memory_space<hbm>>) target(%dma_start3A_164 : memref<16xf32, #tpu.memory_space<vmem>>) offsets(%add3A_159 : vector<16xi32>) semaphore(%arg19 : memref<!tpu.dma_semaphore, #tpu.memory_space<semaphore_mem>>)
        %add3A_167 = arith.constant 384 : i32
        %add3A_168 = vector.broadcast %add3A_167 : i32 to vector<16xi32>
        %add3A_169 = arith.addi %add3A_133, %add3A_168 : vector<16xi32>
        %add3A_170 = arith.constant 0 : i32
        %add3A_171 = arith.addi %add3A_136, %add3A_170 : i32
        %add3A_172 = arith.constant 384 : i32
        %add3A_173 = arith.addi %add3A_171, %add3A_172 : i32
        %dma_start3A_174 = tpu.memref_slice %arg17[%add3A_173] : memref<79872xf32, #tpu.memory_space<vmem>> -> memref<16xf32, #tpu.memory_space<vmem>>
        %dma_start3A_175 = arith.constant 0 : i32
        %dma_start3A_176 = tpu.memref_slice %arg6[%dma_start3A_175] : memref<16640000xf32, #tpu.memory_space<hbm>> -> memref<16640000xf32, #tpu.memory_space<hbm>>
        tpu.enqueue_indirect_dma source(%dma_start3A_176 : memref<16640000xf32, #tpu.memory_space<hbm>>) target(%dma_start3A_174 : memref<16xf32, #tpu.memory_space<vmem>>) offsets(%add3A_169 : vector<16xi32>) semaphore(%arg19 : memref<!tpu.dma_semaphore, #tpu.memory_space<semaphore_mem>>)
        %add3A_177 = arith.constant 512 : i32
        %add3A_178 = vector.broadcast %add3A_177 : i32 to vector<16xi32>
        %add3A_179 = arith.addi %add3A_133, %add3A_178 : vector<16xi32>
        %add3A_180 = arith.constant 0 : i32
        %add3A_181 = arith.addi %add3A_136, %add3A_180 : i32
        %add3A_182 = arith.constant 512 : i32
        %add3A_183 = arith.addi %add3A_181, %add3A_182 : i32
        %dma_start3A_184 = tpu.memref_slice %arg17[%add3A_183] : memref<79872xf32, #tpu.memory_space<vmem>> -> memref<16xf32, #tpu.memory_space<vmem>>
        %dma_start3A_185 = arith.constant 0 : i32
        %dma_start3A_186 = tpu.memref_slice %arg6[%dma_start3A_185] : memref<16640000xf32, #tpu.memory_space<hbm>> -> memref<16640000xf32, #tpu.memory_space<hbm>>
        tpu.enqueue_indirect_dma source(%dma_start3A_186 : memref<16640000xf32, #tpu.memory_space<hbm>>) target(%dma_start3A_184 : memref<16xf32, #tpu.memory_space<vmem>>) offsets(%add3A_179 : vector<16xi32>) semaphore(%arg19 : memref<!tpu.dma_semaphore, #tpu.memory_space<semaphore_mem>>)
        %add3A_187 = arith.constant 640 : i32
        %add3A_188 = vector.broadcast %add3A_187 : i32 to vector<16xi32>
        %add3A_189 = arith.addi %add3A_133, %add3A_188 : vector<16xi32>
        %add3A_190 = arith.constant 0 : i32
        %add3A_191 = arith.addi %add3A_136, %add3A_190 : i32
        %add3A_192 = arith.constant 640 : i32
        %add3A_193 = arith.addi %add3A_191, %add3A_192 : i32
        %dma_start3A_194 = tpu.memref_slice %arg17[%add3A_193] : memref<79872xf32, #tpu.memory_space<vmem>> -> memref<16xf32, #tpu.memory_space<vmem>>
        %dma_start3A_195 = arith.constant 0 : i32
        %dma_start3A_196 = tpu.memref_slice %arg6[%dma_start3A_195] : memref<16640000xf32, #tpu.memory_space<hbm>> -> memref<16640000xf32, #tpu.memory_space<hbm>>
        tpu.enqueue_indirect_dma source(%dma_start3A_196 : memref<16640000xf32, #tpu.memory_space<hbm>>) target(%dma_start3A_194 : memref<16xf32, #tpu.memory_space<vmem>>) offsets(%add3A_189 : vector<16xi32>) semaphore(%arg19 : memref<!tpu.dma_semaphore, #tpu.memory_space<semaphore_mem>>)
        %add3A_197 = arith.constant 768 : i32
        %add3A_198 = vector.broadcast %add3A_197 : i32 to vector<16xi32>
        %add3A_199 = arith.addi %add3A_133, %add3A_198 : vector<16xi32>
        %add3A_200 = arith.constant 0 : i32
        %add3A_201 = arith.addi %add3A_136, %add3A_200 : i32
        %add3A_202 = arith.constant 768 : i32
        %add3A_203 = arith.addi %add3A_201, %add3A_202 : i32
        %dma_start3A_204 = tpu.memref_slice %arg17[%add3A_203] : memref<79872xf32, #tpu.memory_space<vmem>> -> memref<16xf32, #tpu.memory_space<vmem>>
        %dma_start3A_205 = arith.constant 0 : i32
        %dma_start3A_206 = tpu.memref_slice %arg6[%dma_start3A_205] : memref<16640000xf32, #tpu.memory_space<hbm>> -> memref<16640000xf32, #tpu.memory_space<hbm>>
        tpu.enqueue_indirect_dma source(%dma_start3A_206 : memref<16640000xf32, #tpu.memory_space<hbm>>) target(%dma_start3A_204 : memref<16xf32, #tpu.memory_space<vmem>>) offsets(%add3A_199 : vector<16xi32>) semaphore(%arg19 : memref<!tpu.dma_semaphore, #tpu.memory_space<semaphore_mem>>)
        %add3A_207 = arith.constant 896 : i32
        %add3A_208 = vector.broadcast %add3A_207 : i32 to vector<16xi32>
        %add3A_209 = arith.addi %add3A_133, %add3A_208 : vector<16xi32>
        %add3A_210 = arith.constant 0 : i32
        %add3A_211 = arith.addi %add3A_136, %add3A_210 : i32
        %add3A_212 = arith.constant 896 : i32
        %add3A_213 = arith.addi %add3A_211, %add3A_212 : i32
        %dma_start3A_214 = tpu.memref_slice %arg17[%add3A_213] : memref<79872xf32, #tpu.memory_space<vmem>> -> memref<16xf32, #tpu.memory_space<vmem>>
        %dma_start3A_215 = arith.constant 0 : i32
        %dma_start3A_216 = tpu.memref_slice %arg6[%dma_start3A_215] : memref<16640000xf32, #tpu.memory_space<hbm>> -> memref<16640000xf32, #tpu.memory_space<hbm>>
        tpu.enqueue_indirect_dma source(%dma_start3A_216 : memref<16640000xf32, #tpu.memory_space<hbm>>) target(%dma_start3A_214 : memref<16xf32, #tpu.memory_space<vmem>>) offsets(%add3A_209 : vector<16xi32>) semaphore(%arg19 : memref<!tpu.dma_semaphore, #tpu.memory_space<semaphore_mem>>)
        %add3A_217 = arith.constant 8320000 : i32
        %add3A_218 = vector.broadcast %add3A_217 : i32 to vector<16xi32>
        %add3A_219 = arith.addi %add3A_133, %add3A_218 : vector<16xi32>
        %add3A_220 = arith.constant 1024 : i32
        %add3A_221 = arith.addi %add3A_136, %add3A_220 : i32
        %add3A_222 = arith.constant 0 : i32
        %add3A_223 = arith.addi %add3A_221, %add3A_222 : i32
        %dma_start3A_224 = tpu.memref_slice %arg17[%add3A_223] : memref<79872xf32, #tpu.memory_space<vmem>> -> memref<16xf32, #tpu.memory_space<vmem>>
        %dma_start3A_225 = arith.constant 0 : i32
        %dma_start3A_226 = tpu.memref_slice %arg6[%dma_start3A_225] : memref<16640000xf32, #tpu.memory_space<hbm>> -> memref<16640000xf32, #tpu.memory_space<hbm>>
        tpu.enqueue_indirect_dma source(%dma_start3A_226 : memref<16640000xf32, #tpu.memory_space<hbm>>) target(%dma_start3A_224 : memref<16xf32, #tpu.memory_space<vmem>>) offsets(%add3A_219 : vector<16xi32>) semaphore(%arg19 : memref<!tpu.dma_semaphore, #tpu.memory_space<semaphore_mem>>)
        %add3A_227 = arith.constant 8320128 : i32
        %add3A_228 = vector.broadcast %add3A_227 : i32 to vector<16xi32>
        %add3A_229 = arith.addi %add3A_133, %add3A_228 : vector<16xi32>
        %add3A_230 = arith.constant 1024 : i32
        %add3A_231 = arith.addi %add3A_136, %add3A_230 : i32
        %add3A_232 = arith.constant 128 : i32
        %add3A_233 = arith.addi %add3A_231, %add3A_232 : i32
        %dma_start3A_234 = tpu.memref_slice %arg17[%add3A_233] : memref<79872xf32, #tpu.memory_space<vmem>> -> memref<16xf32, #tpu.memory_space<vmem>>
        %dma_start3A_235 = arith.constant 0 : i32
        %dma_start3A_236 = tpu.memref_slice %arg6[%dma_start3A_235] : memref<16640000xf32, #tpu.memory_space<hbm>> -> memref<16640000xf32, #tpu.memory_space<hbm>>
        tpu.enqueue_indirect_dma source(%dma_start3A_236 : memref<16640000xf32, #tpu.memory_space<hbm>>) target(%dma_start3A_234 : memref<16xf32, #tpu.memory_space<vmem>>) offsets(%add3A_229 : vector<16xi32>) semaphore(%arg19 : memref<!tpu.dma_semaphore, #tpu.memory_space<semaphore_mem>>)
        %add3A_237 = arith.constant 8320256 : i32
        %add3A_238 = vector.broadcast %add3A_237 : i32 to vector<16xi32>
        %add3A_239 = arith.addi %add3A_133, %add3A_238 : vector<16xi32>
        %add3A_240 = arith.constant 1024 : i32
        %add3A_241 = arith.addi %add3A_136, %add3A_240 : i32
        %add3A_242 = arith.constant 256 : i32
        %add3A_243 = arith.addi %add3A_241, %add3A_242 : i32
        %dma_start3A_244 = tpu.memref_slice %arg17[%add3A_243] : memref<79872xf32, #tpu.memory_space<vmem>> -> memref<16xf32, #tpu.memory_space<vmem>>
        %dma_start3A_245 = arith.constant 0 : i32
        %dma_start3A_246 = tpu.memref_slice %arg6[%dma_start3A_245] : memref<16640000xf32, #tpu.memory_space<hbm>> -> memref<16640000xf32, #tpu.memory_space<hbm>>
        tpu.enqueue_indirect_dma source(%dma_start3A_246 : memref<16640000xf32, #tpu.memory_space<hbm>>) target(%dma_start3A_244 : memref<16xf32, #tpu.memory_space<vmem>>) offsets(%add3A_239 : vector<16xi32>) semaphore(%arg19 : memref<!tpu.dma_semaphore, #tpu.memory_space<semaphore_mem>>)
        %add3A_247 = arith.constant 8320384 : i32
        %add3A_248 = vector.broadcast %add3A_247 : i32 to vector<16xi32>
        %add3A_249 = arith.addi %add3A_133, %add3A_248 : vector<16xi32>
        %add3A_250 = arith.constant 1024 : i32
        %add3A_251 = arith.addi %add3A_136, %add3A_250 : i32
        %add3A_252 = arith.constant 384 : i32
        %add3A_253 = arith.addi %add3A_251, %add3A_252 : i32
        %dma_start3A_254 = tpu.memref_slice %arg17[%add3A_253] : memref<79872xf32, #tpu.memory_space<vmem>> -> memref<16xf32, #tpu.memory_space<vmem>>
        %dma_start3A_255 = arith.constant 0 : i32
        %dma_start3A_256 = tpu.memref_slice %arg6[%dma_start3A_255] : memref<16640000xf32, #tpu.memory_space<hbm>> -> memref<16640000xf32, #tpu.memory_space<hbm>>
        tpu.enqueue_indirect_dma source(%dma_start3A_256 : memref<16640000xf32, #tpu.memory_space<hbm>>) target(%dma_start3A_254 : memref<16xf32, #tpu.memory_space<vmem>>) offsets(%add3A_249 : vector<16xi32>) semaphore(%arg19 : memref<!tpu.dma_semaphore, #tpu.memory_space<semaphore_mem>>)
        %add3A_257 = arith.constant 8320512 : i32
        %add3A_258 = vector.broadcast %add3A_257 : i32 to vector<16xi32>
        %add3A_259 = arith.addi %add3A_133, %add3A_258 : vector<16xi32>
        %add3A_260 = arith.constant 1024 : i32
        %add3A_261 = arith.addi %add3A_136, %add3A_260 : i32
        %add3A_262 = arith.constant 512 : i32
        %add3A_263 = arith.addi %add3A_261, %add3A_262 : i32
        %dma_start3A_264 = tpu.memref_slice %arg17[%add3A_263] : memref<79872xf32, #tpu.memory_space<vmem>> -> memref<16xf32, #tpu.memory_space<vmem>>
        %dma_start3A_265 = arith.constant 0 : i32
        %dma_start3A_266 = tpu.memref_slice %arg6[%dma_start3A_265] : memref<16640000xf32, #tpu.memory_space<hbm>> -> memref<16640000xf32, #tpu.memory_space<hbm>>
        tpu.enqueue_indirect_dma source(%dma_start3A_266 : memref<16640000xf32, #tpu.memory_space<hbm>>) target(%dma_start3A_264 : memref<16xf32, #tpu.memory_space<vmem>>) offsets(%add3A_259 : vector<16xi32>) semaphore(%arg19 : memref<!tpu.dma_semaphore, #tpu.memory_space<semaphore_mem>>)
        %add3A_267 = arith.constant 8320640 : i32
        %add3A_268 = vector.broadcast %add3A_267 : i32 to vector<16xi32>
        %add3A_269 = arith.addi %add3A_133, %add3A_268 : vector<16xi32>
        %add3A_270 = arith.constant 1024 : i32
        %add3A_271 = arith.addi %add3A_136, %add3A_270 : i32
        %add3A_272 = arith.constant 640 : i32
        %add3A_273 = arith.addi %add3A_271, %add3A_272 : i32
        %dma_start3A_274 = tpu.memref_slice %arg17[%add3A_273] : memref<79872xf32, #tpu.memory_space<vmem>> -> memref<16xf32, #tpu.memory_space<vmem>>
        %dma_start3A_275 = arith.constant 0 : i32
        %dma_start3A_276 = tpu.memref_slice %arg6[%dma_start3A_275] : memref<16640000xf32, #tpu.memory_space<hbm>> -> memref<16640000xf32, #tpu.memory_space<hbm>>
        tpu.enqueue_indirect_dma source(%dma_start3A_276 : memref<16640000xf32, #tpu.memory_space<hbm>>) target(%dma_start3A_274 : memref<16xf32, #tpu.memory_space<vmem>>) offsets(%add3A_269 : vector<16xi32>) semaphore(%arg19 : memref<!tpu.dma_semaphore, #tpu.memory_space<semaphore_mem>>)
        %add3A_277 = arith.constant 8320768 : i32
        %add3A_278 = vector.broadcast %add3A_277 : i32 to vector<16xi32>
        %add3A_279 = arith.addi %add3A_133, %add3A_278 : vector<16xi32>
        %add3A_280 = arith.constant 1024 : i32
        %add3A_281 = arith.addi %add3A_136, %add3A_280 : i32
        %add3A_282 = arith.constant 768 : i32
        %add3A_283 = arith.addi %add3A_281, %add3A_282 : i32
        %dma_start3A_284 = tpu.memref_slice %arg17[%add3A_283] : memref<79872xf32, #tpu.memory_space<vmem>> -> memref<16xf32, #tpu.memory_space<vmem>>
        %dma_start3A_285 = arith.constant 0 : i32
        %dma_start3A_286 = tpu.memref_slice %arg6[%dma_start3A_285] : memref<16640000xf32, #tpu.memory_space<hbm>> -> memref<16640000xf32, #tpu.memory_space<hbm>>
        tpu.enqueue_indirect_dma source(%dma_start3A_286 : memref<16640000xf32, #tpu.memory_space<hbm>>) target(%dma_start3A_284 : memref<16xf32, #tpu.memory_space<vmem>>) offsets(%add3A_279 : vector<16xi32>) semaphore(%arg19 : memref<!tpu.dma_semaphore, #tpu.memory_space<semaphore_mem>>)
        %add3A_287 = arith.constant 8320896 : i32
        %add3A_288 = vector.broadcast %add3A_287 : i32 to vector<16xi32>
        %add3A_289 = arith.addi %add3A_133, %add3A_288 : vector<16xi32>
        %add3A_290 = arith.constant 1024 : i32
        %add3A_291 = arith.addi %add3A_136, %add3A_290 : i32
        %add3A_292 = arith.constant 896 : i32
        %add3A_293 = arith.addi %add3A_291, %add3A_292 : i32
        %dma_start3A_294 = tpu.memref_slice %arg17[%add3A_293] : memref<79872xf32, #tpu.memory_space<vmem>> -> memref<16xf32, #tpu.memory_space<vmem>>
        %dma_start3A_295 = arith.constant 0 : i32
        %dma_start3A_296 = tpu.memref_slice %arg6[%dma_start3A_295] : memref<16640000xf32, #tpu.memory_space<hbm>> -> memref<16640000xf32, #tpu.memory_space<hbm>>
        tpu.enqueue_indirect_dma source(%dma_start3A_296 : memref<16640000xf32, #tpu.memory_space<hbm>>) target(%dma_start3A_294 : memref<16xf32, #tpu.memory_space<vmem>>) offsets(%add3A_289 : vector<16xi32>) semaphore(%arg19 : memref<!tpu.dma_semaphore, #tpu.memory_space<semaphore_mem>>)
        %scan3A_297 = arith.constant 0 : i32
        scf.yield %scan3A_297 : i32
      }
      %scan3A_39 = arith.constant 208 : i32
      %scan3A_40 = arith.constant 0 : i32
      %scan3A_41 = arith.constant 0 : i32
      %scan3A_42 = arith.constant 26 : i32
      %scan3A_43 = arith.addi %scan3A_41, %scan3A_42 : i32
      %scan3A_44 = arith.constant 1 : i32
      %scan3A_45 = scf.for %scan3A_85 = %scan3A_41 to %scan3A_43 step %scan3A_44 iter_args(%scan3A_86 = %scan3A_40) -> (i32)  : i32 {
        %dma_start3A_87 = arith.constant 0 : i32
        %dma_start3A_88 = tpu.memref_slice %arg16[%scan3A_85, %dma_start3A_87] : memref<26x128xf32, #tpu.memory_space<vmem>> -> memref<1x128xf32, #tpu.memory_space<vmem>>
        %dma_start3A_89 = tpu.memref_squeeze %dma_start3A_88 : memref<1x128xf32, #tpu.memory_space<vmem>> -> memref<128xf32, #tpu.memory_space<vmem>>
        %dma_start3A_90 = arith.constant 0 : i32
        %dma_start3A_91 = tpu.memref_slice %arg14[%scan3A_85, %dma_start3A_90] : memref<26x128xi32, #tpu.memory_space<vmem>> -> memref<1x128xi32, #tpu.memory_space<vmem>>
        %dma_start3A_92 = tpu.memref_squeeze %dma_start3A_91 : memref<1x128xi32, #tpu.memory_space<vmem>> -> memref<128xi32, #tpu.memory_space<vmem>>
        %dma_start3A_93 = arith.constant 0 : i32
        %dma_start3A_94 = tpu.memref_slice %arg4[%dma_start3A_93] : memref<1040000xf32, #tpu.memory_space<hbm>> -> memref<1040000xf32, #tpu.memory_space<hbm>>
        tpu.enqueue_indirect_dma source(%dma_start3A_94 : memref<1040000xf32, #tpu.memory_space<hbm>>) target(%dma_start3A_89 : memref<128xf32, #tpu.memory_space<vmem>>) offsets(%dma_start3A_92 : memref<128xi32, #tpu.memory_space<vmem>>) semaphore(%arg20 : memref<!tpu.dma_semaphore, #tpu.memory_space<semaphore_mem>>)
        %scan3A_95 = arith.constant 0 : i32
        scf.yield %scan3A_95 : i32
      }
      %scan3A_46 = arith.constant 26 : i32
      %scan3A_47 = arith.constant 0 : i32
      %scan3A_48 = arith.constant 0 : i32
      %scan3A_49 = arith.constant 104 : i32
      %scan3A_50 = arith.addi %scan3A_48, %scan3A_49 : i32
      %scan3A_51 = arith.constant 1 : i32
      %scan3A_52 = scf.for %scan3A_85 = %scan3A_48 to %scan3A_50 step %scan3A_51 iter_args(%scan3A_86 = %scan3A_47) -> (i32)  : i32 {
        %jit3A = arith.constant 8 : i32
        %div3A = arith.divsi %scan3A_85, %jit3A : i32
        %sign3A = arith.constant 0 : i32
        %sign3A_87 = arith.cmpi sgt, %scan3A_85, %sign3A : i32
        %sign3A_88 = arith.extui %sign3A_87 : i1 to i32
        %sign3A_89 = arith.constant 0 : i32
        %sign3A_90 = arith.cmpi slt, %scan3A_85, %sign3A_89 : i32
        %sign3A_91 = arith.extui %sign3A_90 : i1 to i32
        %sign3A_92 = arith.subi %sign3A_88, %sign3A_91 : i32
        %sign3A_93 = arith.constant 0 : i32
        %sign3A_94 = arith.cmpi sgt, %jit3A, %sign3A_93 : i32
        %sign3A_95 = arith.extui %sign3A_94 : i1 to i32
        %sign3A_96 = arith.constant 0 : i32
        %sign3A_97 = arith.cmpi slt, %jit3A, %sign3A_96 : i32
        %sign3A_98 = arith.extui %sign3A_97 : i1 to i32
        %sign3A_99 = arith.subi %sign3A_95, %sign3A_98 : i32
        %ne3A = arith.cmpi ne, %sign3A_92, %sign3A_99 : i32
        %rem3A = arith.remsi %scan3A_85, %jit3A : i32
        %ne3A_100 = arith.constant 0 : i32
        %ne3A_101 = arith.cmpi ne, %rem3A, %ne3A_100 : i32
        %and3A = arith.andi %ne3A, %ne3A_101 : i1
        %sub3A = arith.constant 1 : i32
        %sub3A_102 = arith.subi %div3A, %sub3A : i32
        %select_n3A = arith.select %and3A, %sub3A_102, %div3A : i32
        %mul3A_103 = arith.constant 8 : i32
        %mul3A_104 = arith.muli %select_n3A, %mul3A_103 : i32
        %sub3A_105 = arith.subi %scan3A_85, %mul3A_104 : i32
        %mul3A_106 = arith.constant 16 : i32
        %mul3A_107 = arith.muli %sub3A_105, %mul3A_106 : i32
        %mul3A_108 = arith.constant 512 : i32
        %mul3A_109 = arith.muli %select_n3A, %mul3A_108 : i32
        %mul3A_110 = arith.constant 128 : i32
        %mul3A_111 = arith.muli %scan3A_24, %mul3A_110 : i32
        %add3A_112 = arith.addi %mul3A_109, %mul3A_111 : i32
        %add3A_113 = arith.addi %add3A_112, %mul3A_107 : i32
        %get3A_114 = arith.index_cast %add3A_113 : i32 to index
        %get3A_115 = tpu.vector_load %arg11[%get3A_114] {strides = array<i32>} : memref<6656xf32, #tpu.memory_space<vmem>>, vector<16xf32>,
        %get3A_116 = vector.shape_cast %get3A_115 : vector<16xf32> to vector<16xf32>
        %mul3A_117 = arith.constant 16 : i32
        %mul3A_118 = arith.muli %select_n3A, %mul3A_117 : i32
        %get3A_119 = arith.index_cast %mul3A_118 : i32 to index
        %get3A_120 = tpu.vector_load %arg12[%get3A_119] {strides = array<i32>} : memref<208xf32, #tpu.memory_space<vmem>>, vector<16xf32>,
        %get3A_121 = vector.shape_cast %get3A_120 : vector<16xf32> to vector<16xf32>
        %add3A_122 = arith.constant 26 : i32
        %add3A_123 = arith.addi %add3A_122, %select_n3A : i32
        %mul3A_124 = arith.constant 2048 : i32
        %mul3A_125 = arith.muli %add3A_123, %mul3A_124 : i32
        %add3A_126 = arith.addi %mul3A_125, %mul3A_107 : i32
        %slice3A = vector.extract_strided_slice %get3A_121 {offsets = [0], sizes = [1], strides = [1]} : vector<16xf32> to vector<1xf32>
        %squeeze3A = vector.extract %slice3A[0] : f32 from vector<1xf32>
        %mul3A_127 = vector.broadcast %squeeze3A : f32 to vector<16xf32>
        %mul3A_128 = arith.mulf %get3A_116, %mul3A_127 : vector<16xf32>
        %add3A_129 = arith.constant 0 : i32
        %add3A_130 = arith.addi %add3A_126, %add3A_129 : i32
        %add3A_131 = arith.constant 0 : i32
        %add3A_132 = arith.addi %add3A_130, %add3A_131 : i32
        %swap3A = arith.index_cast %add3A_132 : i32 to index
        %swap3A_133 = tpu.vector_load %arg17[%swap3A] {strides = array<i32>} : memref<79872xf32, #tpu.memory_space<vmem>>, vector<16xf32>,
        %swap3A_134 = vector.shape_cast %swap3A_133 : vector<16xf32> to vector<16xf32>
        %swap3A_135 = vector.shape_cast %mul3A_128 : vector<16xf32> to vector<16xf32>
        tpu.vector_store %arg17[%swap3A], %swap3A_135 {strides = array<i32>} : memref<79872xf32, #tpu.memory_space<vmem>>, vector<16xf32>,
        %slice3A_136 = vector.extract_strided_slice %get3A_121 {offsets = [1], sizes = [1], strides = [1]} : vector<16xf32> to vector<1xf32>
        %squeeze3A_137 = vector.extract %slice3A_136[0] : f32 from vector<1xf32>
        %mul3A_138 = vector.broadcast %squeeze3A_137 : f32 to vector<16xf32>
        %mul3A_139 = arith.mulf %get3A_116, %mul3A_138 : vector<16xf32>
        %add3A_140 = arith.constant 0 : i32
        %add3A_141 = arith.addi %add3A_126, %add3A_140 : i32
        %add3A_142 = arith.constant 128 : i32
        %add3A_143 = arith.addi %add3A_141, %add3A_142 : i32
        %swap3A_144 = arith.index_cast %add3A_143 : i32 to index
        %swap3A_145 = tpu.vector_load %arg17[%swap3A_144] {strides = array<i32>} : memref<79872xf32, #tpu.memory_space<vmem>>, vector<16xf32>,
        %swap3A_146 = vector.shape_cast %swap3A_145 : vector<16xf32> to vector<16xf32>
        %swap3A_147 = vector.shape_cast %mul3A_139 : vector<16xf32> to vector<16xf32>
        tpu.vector_store %arg17[%swap3A_144], %swap3A_147 {strides = array<i32>} : memref<79872xf32, #tpu.memory_space<vmem>>, vector<16xf32>,
        %slice3A_148 = vector.extract_strided_slice %get3A_121 {offsets = [2], sizes = [1], strides = [1]} : vector<16xf32> to vector<1xf32>
        %squeeze3A_149 = vector.extract %slice3A_148[0] : f32 from vector<1xf32>
        %mul3A_150 = vector.broadcast %squeeze3A_149 : f32 to vector<16xf32>
        %mul3A_151 = arith.mulf %get3A_116, %mul3A_150 : vector<16xf32>
        %add3A_152 = arith.constant 0 : i32
        %add3A_153 = arith.addi %add3A_126, %add3A_152 : i32
        %add3A_154 = arith.constant 256 : i32
        %add3A_155 = arith.addi %add3A_153, %add3A_154 : i32
        %swap3A_156 = arith.index_cast %add3A_155 : i32 to index
        %swap3A_157 = tpu.vector_load %arg17[%swap3A_156] {strides = array<i32>} : memref<79872xf32, #tpu.memory_space<vmem>>, vector<16xf32>,
        %swap3A_158 = vector.shape_cast %swap3A_157 : vector<16xf32> to vector<16xf32>
        %swap3A_159 = vector.shape_cast %mul3A_151 : vector<16xf32> to vector<16xf32>
        tpu.vector_store %arg17[%swap3A_156], %swap3A_159 {strides = array<i32>} : memref<79872xf32, #tpu.memory_space<vmem>>, vector<16xf32>,
        %slice3A_160 = vector.extract_strided_slice %get3A_121 {offsets = [3], sizes = [1], strides = [1]} : vector<16xf32> to vector<1xf32>
        %squeeze3A_161 = vector.extract %slice3A_160[0] : f32 from vector<1xf32>
        %mul3A_162 = vector.broadcast %squeeze3A_161 : f32 to vector<16xf32>
        %mul3A_163 = arith.mulf %get3A_116, %mul3A_162 : vector<16xf32>
        %add3A_164 = arith.constant 0 : i32
        %add3A_165 = arith.addi %add3A_126, %add3A_164 : i32
        %add3A_166 = arith.constant 384 : i32
        %add3A_167 = arith.addi %add3A_165, %add3A_166 : i32
        %swap3A_168 = arith.index_cast %add3A_167 : i32 to index
        %swap3A_169 = tpu.vector_load %arg17[%swap3A_168] {strides = array<i32>} : memref<79872xf32, #tpu.memory_space<vmem>>, vector<16xf32>,
        %swap3A_170 = vector.shape_cast %swap3A_169 : vector<16xf32> to vector<16xf32>
        %swap3A_171 = vector.shape_cast %mul3A_163 : vector<16xf32> to vector<16xf32>
        tpu.vector_store %arg17[%swap3A_168], %swap3A_171 {strides = array<i32>} : memref<79872xf32, #tpu.memory_space<vmem>>, vector<16xf32>,
        %slice3A_172 = vector.extract_strided_slice %get3A_121 {offsets = [4], sizes = [1], strides = [1]} : vector<16xf32> to vector<1xf32>
        %squeeze3A_173 = vector.extract %slice3A_172[0] : f32 from vector<1xf32>
        %mul3A_174 = vector.broadcast %squeeze3A_173 : f32 to vector<16xf32>
        %mul3A_175 = arith.mulf %get3A_116, %mul3A_174 : vector<16xf32>
        %add3A_176 = arith.constant 0 : i32
        %add3A_177 = arith.addi %add3A_126, %add3A_176 : i32
        %add3A_178 = arith.constant 512 : i32
        %add3A_179 = arith.addi %add3A_177, %add3A_178 : i32
        %swap3A_180 = arith.index_cast %add3A_179 : i32 to index
        %swap3A_181 = tpu.vector_load %arg17[%swap3A_180] {strides = array<i32>} : memref<79872xf32, #tpu.memory_space<vmem>>, vector<16xf32>,
        %swap3A_182 = vector.shape_cast %swap3A_181 : vector<16xf32> to vector<16xf32>
        %swap3A_183 = vector.shape_cast %mul3A_175 : vector<16xf32> to vector<16xf32>
        tpu.vector_store %arg17[%swap3A_180], %swap3A_183 {strides = array<i32>} : memref<79872xf32, #tpu.memory_space<vmem>>, vector<16xf32>,
        %slice3A_184 = vector.extract_strided_slice %get3A_121 {offsets = [5], sizes = [1], strides = [1]} : vector<16xf32> to vector<1xf32>
        %squeeze3A_185 = vector.extract %slice3A_184[0] : f32 from vector<1xf32>
        %mul3A_186 = vector.broadcast %squeeze3A_185 : f32 to vector<16xf32>
        %mul3A_187 = arith.mulf %get3A_116, %mul3A_186 : vector<16xf32>
        %add3A_188 = arith.constant 0 : i32
        %add3A_189 = arith.addi %add3A_126, %add3A_188 : i32
        %add3A_190 = arith.constant 640 : i32
        %add3A_191 = arith.addi %add3A_189, %add3A_190 : i32
        %swap3A_192 = arith.index_cast %add3A_191 : i32 to index
        %swap3A_193 = tpu.vector_load %arg17[%swap3A_192] {strides = array<i32>} : memref<79872xf32, #tpu.memory_space<vmem>>, vector<16xf32>,
        %swap3A_194 = vector.shape_cast %swap3A_193 : vector<16xf32> to vector<16xf32>
        %swap3A_195 = vector.shape_cast %mul3A_187 : vector<16xf32> to vector<16xf32>
        tpu.vector_store %arg17[%swap3A_192], %swap3A_195 {strides = array<i32>} : memref<79872xf32, #tpu.memory_space<vmem>>, vector<16xf32>,
        %slice3A_196 = vector.extract_strided_slice %get3A_121 {offsets = [6], sizes = [1], strides = [1]} : vector<16xf32> to vector<1xf32>
        %squeeze3A_197 = vector.extract %slice3A_196[0] : f32 from vector<1xf32>
        %mul3A_198 = vector.broadcast %squeeze3A_197 : f32 to vector<16xf32>
        %mul3A_199 = arith.mulf %get3A_116, %mul3A_198 : vector<16xf32>
        %add3A_200 = arith.constant 0 : i32
        %add3A_201 = arith.addi %add3A_126, %add3A_200 : i32
        %add3A_202 = arith.constant 768 : i32
        %add3A_203 = arith.addi %add3A_201, %add3A_202 : i32
        %swap3A_204 = arith.index_cast %add3A_203 : i32 to index
        %swap3A_205 = tpu.vector_load %arg17[%swap3A_204] {strides = array<i32>} : memref<79872xf32, #tpu.memory_space<vmem>>, vector<16xf32>,
        %swap3A_206 = vector.shape_cast %swap3A_205 : vector<16xf32> to vector<16xf32>
        %swap3A_207 = vector.shape_cast %mul3A_199 : vector<16xf32> to vector<16xf32>
        tpu.vector_store %arg17[%swap3A_204], %swap3A_207 {strides = array<i32>} : memref<79872xf32, #tpu.memory_space<vmem>>, vector<16xf32>,
        %slice3A_208 = vector.extract_strided_slice %get3A_121 {offsets = [7], sizes = [1], strides = [1]} : vector<16xf32> to vector<1xf32>
        %squeeze3A_209 = vector.extract %slice3A_208[0] : f32 from vector<1xf32>
        %mul3A_210 = vector.broadcast %squeeze3A_209 : f32 to vector<16xf32>
        %mul3A_211 = arith.mulf %get3A_116, %mul3A_210 : vector<16xf32>
        %add3A_212 = arith.constant 0 : i32
        %add3A_213 = arith.addi %add3A_126, %add3A_212 : i32
        %add3A_214 = arith.constant 896 : i32
        %add3A_215 = arith.addi %add3A_213, %add3A_214 : i32
        %swap3A_216 = arith.index_cast %add3A_215 : i32 to index
        %swap3A_217 = tpu.vector_load %arg17[%swap3A_216] {strides = array<i32>} : memref<79872xf32, #tpu.memory_space<vmem>>, vector<16xf32>,
        %swap3A_218 = vector.shape_cast %swap3A_217 : vector<16xf32> to vector<16xf32>
        %swap3A_219 = vector.shape_cast %mul3A_211 : vector<16xf32> to vector<16xf32>
        tpu.vector_store %arg17[%swap3A_216], %swap3A_219 {strides = array<i32>} : memref<79872xf32, #tpu.memory_space<vmem>>, vector<16xf32>,
        %slice3A_220 = vector.extract_strided_slice %get3A_121 {offsets = [8], sizes = [1], strides = [1]} : vector<16xf32> to vector<1xf32>
        %squeeze3A_221 = vector.extract %slice3A_220[0] : f32 from vector<1xf32>
        %mul3A_222 = vector.broadcast %squeeze3A_221 : f32 to vector<16xf32>
        %mul3A_223 = arith.mulf %get3A_116, %mul3A_222 : vector<16xf32>
        %add3A_224 = arith.constant 1024 : i32
        %add3A_225 = arith.addi %add3A_126, %add3A_224 : i32
        %add3A_226 = arith.constant 0 : i32
        %add3A_227 = arith.addi %add3A_225, %add3A_226 : i32
        %swap3A_228 = arith.index_cast %add3A_227 : i32 to index
        %swap3A_229 = tpu.vector_load %arg17[%swap3A_228] {strides = array<i32>} : memref<79872xf32, #tpu.memory_space<vmem>>, vector<16xf32>,
        %swap3A_230 = vector.shape_cast %swap3A_229 : vector<16xf32> to vector<16xf32>
        %swap3A_231 = vector.shape_cast %mul3A_223 : vector<16xf32> to vector<16xf32>
        tpu.vector_store %arg17[%swap3A_228], %swap3A_231 {strides = array<i32>} : memref<79872xf32, #tpu.memory_space<vmem>>, vector<16xf32>,
        %slice3A_232 = vector.extract_strided_slice %get3A_121 {offsets = [9], sizes = [1], strides = [1]} : vector<16xf32> to vector<1xf32>
        %squeeze3A_233 = vector.extract %slice3A_232[0] : f32 from vector<1xf32>
        %mul3A_234 = vector.broadcast %squeeze3A_233 : f32 to vector<16xf32>
        %mul3A_235 = arith.mulf %get3A_116, %mul3A_234 : vector<16xf32>
        %add3A_236 = arith.constant 1024 : i32
        %add3A_237 = arith.addi %add3A_126, %add3A_236 : i32
        %add3A_238 = arith.constant 128 : i32
        %add3A_239 = arith.addi %add3A_237, %add3A_238 : i32
        %swap3A_240 = arith.index_cast %add3A_239 : i32 to index
        %swap3A_241 = tpu.vector_load %arg17[%swap3A_240] {strides = array<i32>} : memref<79872xf32, #tpu.memory_space<vmem>>, vector<16xf32>,
        %swap3A_242 = vector.shape_cast %swap3A_241 : vector<16xf32> to vector<16xf32>
        %swap3A_243 = vector.shape_cast %mul3A_235 : vector<16xf32> to vector<16xf32>
        tpu.vector_store %arg17[%swap3A_240], %swap3A_243 {strides = array<i32>} : memref<79872xf32, #tpu.memory_space<vmem>>, vector<16xf32>,
        %slice3A_244 = vector.extract_strided_slice %get3A_121 {offsets = [10], sizes = [1], strides = [1]} : vector<16xf32> to vector<1xf32>
        %squeeze3A_245 = vector.extract %slice3A_244[0] : f32 from vector<1xf32>
        %mul3A_246 = vector.broadcast %squeeze3A_245 : f32 to vector<16xf32>
        %mul3A_247 = arith.mulf %get3A_116, %mul3A_246 : vector<16xf32>
        %add3A_248 = arith.constant 1024 : i32
        %add3A_249 = arith.addi %add3A_126, %add3A_248 : i32
        %add3A_250 = arith.constant 256 : i32
        %add3A_251 = arith.addi %add3A_249, %add3A_250 : i32
        %swap3A_252 = arith.index_cast %add3A_251 : i32 to index
        %swap3A_253 = tpu.vector_load %arg17[%swap3A_252] {strides = array<i32>} : memref<79872xf32, #tpu.memory_space<vmem>>, vector<16xf32>,
        %swap3A_254 = vector.shape_cast %swap3A_253 : vector<16xf32> to vector<16xf32>
        %swap3A_255 = vector.shape_cast %mul3A_247 : vector<16xf32> to vector<16xf32>
        tpu.vector_store %arg17[%swap3A_252], %swap3A_255 {strides = array<i32>} : memref<79872xf32, #tpu.memory_space<vmem>>, vector<16xf32>,
        %slice3A_256 = vector.extract_strided_slice %get3A_121 {offsets = [11], sizes = [1], strides = [1]} : vector<16xf32> to vector<1xf32>
        %squeeze3A_257 = vector.extract %slice3A_256[0] : f32 from vector<1xf32>
        %mul3A_258 = vector.broadcast %squeeze3A_257 : f32 to vector<16xf32>
        %mul3A_259 = arith.mulf %get3A_116, %mul3A_258 : vector<16xf32>
        %add3A_260 = arith.constant 1024 : i32
        %add3A_261 = arith.addi %add3A_126, %add3A_260 : i32
        %add3A_262 = arith.constant 384 : i32
        %add3A_263 = arith.addi %add3A_261, %add3A_262 : i32
        %swap3A_264 = arith.index_cast %add3A_263 : i32 to index
        %swap3A_265 = tpu.vector_load %arg17[%swap3A_264] {strides = array<i32>} : memref<79872xf32, #tpu.memory_space<vmem>>, vector<16xf32>,
        %swap3A_266 = vector.shape_cast %swap3A_265 : vector<16xf32> to vector<16xf32>
        %swap3A_267 = vector.shape_cast %mul3A_259 : vector<16xf32> to vector<16xf32>
        tpu.vector_store %arg17[%swap3A_264], %swap3A_267 {strides = array<i32>} : memref<79872xf32, #tpu.memory_space<vmem>>, vector<16xf32>,
        %slice3A_268 = vector.extract_strided_slice %get3A_121 {offsets = [12], sizes = [1], strides = [1]} : vector<16xf32> to vector<1xf32>
        %squeeze3A_269 = vector.extract %slice3A_268[0] : f32 from vector<1xf32>
        %mul3A_270 = vector.broadcast %squeeze3A_269 : f32 to vector<16xf32>
        %mul3A_271 = arith.mulf %get3A_116, %mul3A_270 : vector<16xf32>
        %add3A_272 = arith.constant 1024 : i32
        %add3A_273 = arith.addi %add3A_126, %add3A_272 : i32
        %add3A_274 = arith.constant 512 : i32
        %add3A_275 = arith.addi %add3A_273, %add3A_274 : i32
        %swap3A_276 = arith.index_cast %add3A_275 : i32 to index
        %swap3A_277 = tpu.vector_load %arg17[%swap3A_276] {strides = array<i32>} : memref<79872xf32, #tpu.memory_space<vmem>>, vector<16xf32>,
        %swap3A_278 = vector.shape_cast %swap3A_277 : vector<16xf32> to vector<16xf32>
        %swap3A_279 = vector.shape_cast %mul3A_271 : vector<16xf32> to vector<16xf32>
        tpu.vector_store %arg17[%swap3A_276], %swap3A_279 {strides = array<i32>} : memref<79872xf32, #tpu.memory_space<vmem>>, vector<16xf32>,
        %slice3A_280 = vector.extract_strided_slice %get3A_121 {offsets = [13], sizes = [1], strides = [1]} : vector<16xf32> to vector<1xf32>
        %squeeze3A_281 = vector.extract %slice3A_280[0] : f32 from vector<1xf32>
        %mul3A_282 = vector.broadcast %squeeze3A_281 : f32 to vector<16xf32>
        %mul3A_283 = arith.mulf %get3A_116, %mul3A_282 : vector<16xf32>
        %add3A_284 = arith.constant 1024 : i32
        %add3A_285 = arith.addi %add3A_126, %add3A_284 : i32
        %add3A_286 = arith.constant 640 : i32
        %add3A_287 = arith.addi %add3A_285, %add3A_286 : i32
        %swap3A_288 = arith.index_cast %add3A_287 : i32 to index
        %swap3A_289 = tpu.vector_load %arg17[%swap3A_288] {strides = array<i32>} : memref<79872xf32, #tpu.memory_space<vmem>>, vector<16xf32>,
        %swap3A_290 = vector.shape_cast %swap3A_289 : vector<16xf32> to vector<16xf32>
        %swap3A_291 = vector.shape_cast %mul3A_283 : vector<16xf32> to vector<16xf32>
        tpu.vector_store %arg17[%swap3A_288], %swap3A_291 {strides = array<i32>} : memref<79872xf32, #tpu.memory_space<vmem>>, vector<16xf32>,
        %slice3A_292 = vector.extract_strided_slice %get3A_121 {offsets = [14], sizes = [1], strides = [1]} : vector<16xf32> to vector<1xf32>
        %squeeze3A_293 = vector.extract %slice3A_292[0] : f32 from vector<1xf32>
        %mul3A_294 = vector.broadcast %squeeze3A_293 : f32 to vector<16xf32>
        %mul3A_295 = arith.mulf %get3A_116, %mul3A_294 : vector<16xf32>
        %add3A_296 = arith.constant 1024 : i32
        %add3A_297 = arith.addi %add3A_126, %add3A_296 : i32
        %add3A_298 = arith.constant 768 : i32
        %add3A_299 = arith.addi %add3A_297, %add3A_298 : i32
        %swap3A_300 = arith.index_cast %add3A_299 : i32 to index
        %swap3A_301 = tpu.vector_load %arg17[%swap3A_300] {strides = array<i32>} : memref<79872xf32, #tpu.memory_space<vmem>>, vector<16xf32>,
        %swap3A_302 = vector.shape_cast %swap3A_301 : vector<16xf32> to vector<16xf32>
        %swap3A_303 = vector.shape_cast %mul3A_295 : vector<16xf32> to vector<16xf32>
        tpu.vector_store %arg17[%swap3A_300], %swap3A_303 {strides = array<i32>} : memref<79872xf32, #tpu.memory_space<vmem>>, vector<16xf32>,
        %slice3A_304 = vector.extract_strided_slice %get3A_121 {offsets = [15], sizes = [1], strides = [1]} : vector<16xf32> to vector<1xf32>
        %squeeze3A_305 = vector.extract %slice3A_304[0] : f32 from vector<1xf32>
        %mul3A_306 = vector.broadcast %squeeze3A_305 : f32 to vector<16xf32>
        %mul3A_307 = arith.mulf %get3A_116, %mul3A_306 : vector<16xf32>
        %add3A_308 = arith.constant 1024 : i32
        %add3A_309 = arith.addi %add3A_126, %add3A_308 : i32
        %add3A_310 = arith.constant 896 : i32
        %add3A_311 = arith.addi %add3A_309, %add3A_310 : i32
        %swap3A_312 = arith.index_cast %add3A_311 : i32 to index
        %swap3A_313 = tpu.vector_load %arg17[%swap3A_312] {strides = array<i32>} : memref<79872xf32, #tpu.memory_space<vmem>>, vector<16xf32>,
        %swap3A_314 = vector.shape_cast %swap3A_313 : vector<16xf32> to vector<16xf32>
        %swap3A_315 = vector.shape_cast %mul3A_307 : vector<16xf32> to vector<16xf32>
        tpu.vector_store %arg17[%swap3A_312], %swap3A_315 {strides = array<i32>} : memref<79872xf32, #tpu.memory_space<vmem>>, vector<16xf32>,
        %scan3A_316 = arith.constant 0 : i32
        scf.yield %scan3A_316 : i32
      }
      %scan3A_53 = arith.constant 104 : i32
      %scan3A_54 = arith.constant 0 : i32
      %scan3A_55 = arith.constant 0 : i32
      %scan3A_56 = arith.constant 26 : i32
      %scan3A_57 = arith.addi %scan3A_55, %scan3A_56 : i32
      %scan3A_58 = arith.constant 1 : i32
      %scan3A_59 = scf.for %scan3A_85 = %scan3A_55 to %scan3A_57 step %scan3A_58 iter_args(%scan3A_86 = %scan3A_54) -> (i32)  : i32 {
        %dma_wait3A_87 = arith.constant 0 : i32
        %dma_wait3A_88 = tpu.memref_slice %arg16[%scan3A_85, %dma_wait3A_87] : memref<26x128xf32, #tpu.memory_space<vmem>> -> memref<1x128xf32, #tpu.memory_space<vmem>>
        %dma_wait3A_89 = tpu.memref_squeeze %dma_wait3A_88 : memref<1x128xf32, #tpu.memory_space<vmem>> -> memref<128xf32, #tpu.memory_space<vmem>>
        %dma_wait3A_90 = arith.constant 0 : i32
        %dma_wait3A_91 = tpu.memref_slice %arg14[%scan3A_85, %dma_wait3A_90] : memref<26x128xi32, #tpu.memory_space<vmem>> -> memref<1x128xi32, #tpu.memory_space<vmem>>
        %dma_wait3A_92 = tpu.memref_squeeze %dma_wait3A_91 : memref<1x128xi32, #tpu.memory_space<vmem>> -> memref<128xi32, #tpu.memory_space<vmem>>
        %dma_wait3A_93 = arith.constant 0 : i32
        %dma_wait3A_94 = tpu.memref_slice %arg4[%dma_wait3A_93] : memref<1040000xf32, #tpu.memory_space<hbm>> -> memref<1040000xf32, #tpu.memory_space<hbm>>
        tpu.wait_indirect_dma semaphore(%arg20 : memref<!tpu.dma_semaphore, #tpu.memory_space<semaphore_mem>>) src(%dma_wait3A_94 : memref<1040000xf32, #tpu.memory_space<hbm>>) dst(%dma_wait3A_89 : memref<128xf32, #tpu.memory_space<vmem>>)
        %scan3A_95 = arith.constant 0 : i32
        scf.yield %scan3A_95 : i32
      }
      %scan3A_60 = arith.constant 26 : i32
      %scan3A_61 = arith.constant 0 : i32
      %scan3A_62 = arith.constant 0 : i32
      %scan3A_63 = arith.constant 8 : i32
      %scan3A_64 = arith.addi %scan3A_62, %scan3A_63 : i32
      %scan3A_65 = arith.constant 1 : i32
      %scan3A_66 = scf.for %scan3A_85 = %scan3A_62 to %scan3A_64 step %scan3A_65 iter_args(%scan3A_86 = %scan3A_61) -> (i32)  : i32 {
        %mul3A_87 = arith.constant 16 : i32
        %mul3A_88 = arith.muli %scan3A_85, %mul3A_87 : i32
        %broadcast_in_dim3A = arith.constant 0.000000e+00 : f32
        %broadcast_in_dim3A_89 = vector.broadcast %broadcast_in_dim3A : f32 to vector<16xf32>
        %get3A_90 = arith.constant 0 : i32
        %get3A_91 = arith.index_cast %get3A_90 : i32 to index
        %get3A_92 = arith.index_cast %mul3A_88 : i32 to index
        %get3A_93 = tpu.vector_load %arg16[%get3A_91, %get3A_92] {strides = array<i32>} : memref<26x128xf32, #tpu.memory_space<vmem>>, vector<1x16xf32>,
        %get3A_94 = vector.shape_cast %get3A_93 : vector<1x16xf32> to vector<16xf32>
        %add3A_95 = arith.addf %broadcast_in_dim3A_89, %get3A_94 : vector<16xf32>
        %get3A_96 = arith.constant 1 : i32
        %get3A_97 = arith.index_cast %get3A_96 : i32 to index
        %get3A_98 = arith.index_cast %mul3A_88 : i32 to index
        %get3A_99 = tpu.vector_load %arg16[%get3A_97, %get3A_98] {strides = array<i32>} : memref<26x128xf32, #tpu.memory_space<vmem>>, vector<1x16xf32>,
        %get3A_100 = vector.shape_cast %get3A_99 : vector<1x16xf32> to vector<16xf32>
        %add3A_101 = arith.addf %add3A_95, %get3A_100 : vector<16xf32>
        %get3A_102 = arith.constant 2 : i32
        %get3A_103 = arith.index_cast %get3A_102 : i32 to index
        %get3A_104 = arith.index_cast %mul3A_88 : i32 to index
        %get3A_105 = tpu.vector_load %arg16[%get3A_103, %get3A_104] {strides = array<i32>} : memref<26x128xf32, #tpu.memory_space<vmem>>, vector<1x16xf32>,
        %get3A_106 = vector.shape_cast %get3A_105 : vector<1x16xf32> to vector<16xf32>
        %add3A_107 = arith.addf %add3A_101, %get3A_106 : vector<16xf32>
        %get3A_108 = arith.constant 3 : i32
        %get3A_109 = arith.index_cast %get3A_108 : i32 to index
        %get3A_110 = arith.index_cast %mul3A_88 : i32 to index
        %get3A_111 = tpu.vector_load %arg16[%get3A_109, %get3A_110] {strides = array<i32>} : memref<26x128xf32, #tpu.memory_space<vmem>>, vector<1x16xf32>,
        %get3A_112 = vector.shape_cast %get3A_111 : vector<1x16xf32> to vector<16xf32>
        %add3A_113 = arith.addf %add3A_107, %get3A_112 : vector<16xf32>
        %get3A_114 = arith.constant 4 : i32
        %get3A_115 = arith.index_cast %get3A_114 : i32 to index
        %get3A_116 = arith.index_cast %mul3A_88 : i32 to index
        %get3A_117 = tpu.vector_load %arg16[%get3A_115, %get3A_116] {strides = array<i32>} : memref<26x128xf32, #tpu.memory_space<vmem>>, vector<1x16xf32>,
        %get3A_118 = vector.shape_cast %get3A_117 : vector<1x16xf32> to vector<16xf32>
        %add3A_119 = arith.addf %add3A_113, %get3A_118 : vector<16xf32>
        %get3A_120 = arith.constant 5 : i32
        %get3A_121 = arith.index_cast %get3A_120 : i32 to index
        %get3A_122 = arith.index_cast %mul3A_88 : i32 to index
        %get3A_123 = tpu.vector_load %arg16[%get3A_121, %get3A_122] {strides = array<i32>} : memref<26x128xf32, #tpu.memory_space<vmem>>, vector<1x16xf32>,
        %get3A_124 = vector.shape_cast %get3A_123 : vector<1x16xf32> to vector<16xf32>
        %add3A_125 = arith.addf %add3A_119, %get3A_124 : vector<16xf32>
        %get3A_126 = arith.constant 6 : i32
        %get3A_127 = arith.index_cast %get3A_126 : i32 to index
        %get3A_128 = arith.index_cast %mul3A_88 : i32 to index
        %get3A_129 = tpu.vector_load %arg16[%get3A_127, %get3A_128] {strides = array<i32>} : memref<26x128xf32, #tpu.memory_space<vmem>>, vector<1x16xf32>,
        %get3A_130 = vector.shape_cast %get3A_129 : vector<1x16xf32> to vector<16xf32>
        %add3A_131 = arith.addf %add3A_125, %get3A_130 : vector<16xf32>
        %get3A_132 = arith.constant 7 : i32
        %get3A_133 = arith.index_cast %get3A_132 : i32 to index
        %get3A_134 = arith.index_cast %mul3A_88 : i32 to index
        %get3A_135 = tpu.vector_load %arg16[%get3A_133, %get3A_134] {strides = array<i32>} : memref<26x128xf32, #tpu.memory_space<vmem>>, vector<1x16xf32>,
        %get3A_136 = vector.shape_cast %get3A_135 : vector<1x16xf32> to vector<16xf32>
        %add3A_137 = arith.addf %add3A_131, %get3A_136 : vector<16xf32>
        %get3A_138 = arith.constant 8 : i32
        %get3A_139 = arith.index_cast %get3A_138 : i32 to index
        %get3A_140 = arith.index_cast %mul3A_88 : i32 to index
        %get3A_141 = tpu.vector_load %arg16[%get3A_139, %get3A_140] {strides = array<i32>} : memref<26x128xf32, #tpu.memory_space<vmem>>, vector<1x16xf32>,
        %get3A_142 = vector.shape_cast %get3A_141 : vector<1x16xf32> to vector<16xf32>
        %add3A_143 = arith.addf %add3A_137, %get3A_142 : vector<16xf32>
        %get3A_144 = arith.constant 9 : i32
        %get3A_145 = arith.index_cast %get3A_144 : i32 to index
        %get3A_146 = arith.index_cast %mul3A_88 : i32 to index
        %get3A_147 = tpu.vector_load %arg16[%get3A_145, %get3A_146] {strides = array<i32>} : memref<26x128xf32, #tpu.memory_space<vmem>>, vector<1x16xf32>,
        %get3A_148 = vector.shape_cast %get3A_147 : vector<1x16xf32> to vector<16xf32>
        %add3A_149 = arith.addf %add3A_143, %get3A_148 : vector<16xf32>
        %get3A_150 = arith.constant 10 : i32
        %get3A_151 = arith.index_cast %get3A_150 : i32 to index
        %get3A_152 = arith.index_cast %mul3A_88 : i32 to index
        %get3A_153 = tpu.vector_load %arg16[%get3A_151, %get3A_152] {strides = array<i32>} : memref<26x128xf32, #tpu.memory_space<vmem>>, vector<1x16xf32>,
        %get3A_154 = vector.shape_cast %get3A_153 : vector<1x16xf32> to vector<16xf32>
        %add3A_155 = arith.addf %add3A_149, %get3A_154 : vector<16xf32>
        %get3A_156 = arith.constant 11 : i32
        %get3A_157 = arith.index_cast %get3A_156 : i32 to index
        %get3A_158 = arith.index_cast %mul3A_88 : i32 to index
        %get3A_159 = tpu.vector_load %arg16[%get3A_157, %get3A_158] {strides = array<i32>} : memref<26x128xf32, #tpu.memory_space<vmem>>, vector<1x16xf32>,
        %get3A_160 = vector.shape_cast %get3A_159 : vector<1x16xf32> to vector<16xf32>
        %add3A_161 = arith.addf %add3A_155, %get3A_160 : vector<16xf32>
        %get3A_162 = arith.constant 12 : i32
        %get3A_163 = arith.index_cast %get3A_162 : i32 to index
        %get3A_164 = arith.index_cast %mul3A_88 : i32 to index
        %get3A_165 = tpu.vector_load %arg16[%get3A_163, %get3A_164] {strides = array<i32>} : memref<26x128xf32, #tpu.memory_space<vmem>>, vector<1x16xf32>,
        %get3A_166 = vector.shape_cast %get3A_165 : vector<1x16xf32> to vector<16xf32>
        %add3A_167 = arith.addf %add3A_161, %get3A_166 : vector<16xf32>
        %get3A_168 = arith.constant 13 : i32
        %get3A_169 = arith.index_cast %get3A_168 : i32 to index
        %get3A_170 = arith.index_cast %mul3A_88 : i32 to index
        %get3A_171 = tpu.vector_load %arg16[%get3A_169, %get3A_170] {strides = array<i32>} : memref<26x128xf32, #tpu.memory_space<vmem>>, vector<1x16xf32>,
        %get3A_172 = vector.shape_cast %get3A_171 : vector<1x16xf32> to vector<16xf32>
        %add3A_173 = arith.addf %add3A_167, %get3A_172 : vector<16xf32>
        %get3A_174 = arith.constant 14 : i32
        %get3A_175 = arith.index_cast %get3A_174 : i32 to index
        %get3A_176 = arith.index_cast %mul3A_88 : i32 to index
        %get3A_177 = tpu.vector_load %arg16[%get3A_175, %get3A_176] {strides = array<i32>} : memref<26x128xf32, #tpu.memory_space<vmem>>, vector<1x16xf32>,
        %get3A_178 = vector.shape_cast %get3A_177 : vector<1x16xf32> to vector<16xf32>
        %add3A_179 = arith.addf %add3A_173, %get3A_178 : vector<16xf32>
        %get3A_180 = arith.constant 15 : i32
        %get3A_181 = arith.index_cast %get3A_180 : i32 to index
        %get3A_182 = arith.index_cast %mul3A_88 : i32 to index
        %get3A_183 = tpu.vector_load %arg16[%get3A_181, %get3A_182] {strides = array<i32>} : memref<26x128xf32, #tpu.memory_space<vmem>>, vector<1x16xf32>,
        %get3A_184 = vector.shape_cast %get3A_183 : vector<1x16xf32> to vector<16xf32>
        %add3A_185 = arith.addf %add3A_179, %get3A_184 : vector<16xf32>
        %get3A_186 = arith.constant 16 : i32
        %get3A_187 = arith.index_cast %get3A_186 : i32 to index
        %get3A_188 = arith.index_cast %mul3A_88 : i32 to index
        %get3A_189 = tpu.vector_load %arg16[%get3A_187, %get3A_188] {strides = array<i32>} : memref<26x128xf32, #tpu.memory_space<vmem>>, vector<1x16xf32>,
        %get3A_190 = vector.shape_cast %get3A_189 : vector<1x16xf32> to vector<16xf32>
        %add3A_191 = arith.addf %add3A_185, %get3A_190 : vector<16xf32>
        %get3A_192 = arith.constant 17 : i32
        %get3A_193 = arith.index_cast %get3A_192 : i32 to index
        %get3A_194 = arith.index_cast %mul3A_88 : i32 to index
        %get3A_195 = tpu.vector_load %arg16[%get3A_193, %get3A_194] {strides = array<i32>} : memref<26x128xf32, #tpu.memory_space<vmem>>, vector<1x16xf32>,
        %get3A_196 = vector.shape_cast %get3A_195 : vector<1x16xf32> to vector<16xf32>
        %add3A_197 = arith.addf %add3A_191, %get3A_196 : vector<16xf32>
        %get3A_198 = arith.constant 18 : i32
        %get3A_199 = arith.index_cast %get3A_198 : i32 to index
        %get3A_200 = arith.index_cast %mul3A_88 : i32 to index
        %get3A_201 = tpu.vector_load %arg16[%get3A_199, %get3A_200] {strides = array<i32>} : memref<26x128xf32, #tpu.memory_space<vmem>>, vector<1x16xf32>,
        %get3A_202 = vector.shape_cast %get3A_201 : vector<1x16xf32> to vector<16xf32>
        %add3A_203 = arith.addf %add3A_197, %get3A_202 : vector<16xf32>
        %get3A_204 = arith.constant 19 : i32
        %get3A_205 = arith.index_cast %get3A_204 : i32 to index
        %get3A_206 = arith.index_cast %mul3A_88 : i32 to index
        %get3A_207 = tpu.vector_load %arg16[%get3A_205, %get3A_206] {strides = array<i32>} : memref<26x128xf32, #tpu.memory_space<vmem>>, vector<1x16xf32>,
        %get3A_208 = vector.shape_cast %get3A_207 : vector<1x16xf32> to vector<16xf32>
        %add3A_209 = arith.addf %add3A_203, %get3A_208 : vector<16xf32>
        %get3A_210 = arith.constant 20 : i32
        %get3A_211 = arith.index_cast %get3A_210 : i32 to index
        %get3A_212 = arith.index_cast %mul3A_88 : i32 to index
        %get3A_213 = tpu.vector_load %arg16[%get3A_211, %get3A_212] {strides = array<i32>} : memref<26x128xf32, #tpu.memory_space<vmem>>, vector<1x16xf32>,
        %get3A_214 = vector.shape_cast %get3A_213 : vector<1x16xf32> to vector<16xf32>
        %add3A_215 = arith.addf %add3A_209, %get3A_214 : vector<16xf32>
        %get3A_216 = arith.constant 21 : i32
        %get3A_217 = arith.index_cast %get3A_216 : i32 to index
        %get3A_218 = arith.index_cast %mul3A_88 : i32 to index
        %get3A_219 = tpu.vector_load %arg16[%get3A_217, %get3A_218] {strides = array<i32>} : memref<26x128xf32, #tpu.memory_space<vmem>>, vector<1x16xf32>,
        %get3A_220 = vector.shape_cast %get3A_219 : vector<1x16xf32> to vector<16xf32>
        %add3A_221 = arith.addf %add3A_215, %get3A_220 : vector<16xf32>
        %get3A_222 = arith.constant 22 : i32
        %get3A_223 = arith.index_cast %get3A_222 : i32 to index
        %get3A_224 = arith.index_cast %mul3A_88 : i32 to index
        %get3A_225 = tpu.vector_load %arg16[%get3A_223, %get3A_224] {strides = array<i32>} : memref<26x128xf32, #tpu.memory_space<vmem>>, vector<1x16xf32>,
        %get3A_226 = vector.shape_cast %get3A_225 : vector<1x16xf32> to vector<16xf32>
        %add3A_227 = arith.addf %add3A_221, %get3A_226 : vector<16xf32>
        %get3A_228 = arith.constant 23 : i32
        %get3A_229 = arith.index_cast %get3A_228 : i32 to index
        %get3A_230 = arith.index_cast %mul3A_88 : i32 to index
        %get3A_231 = tpu.vector_load %arg16[%get3A_229, %get3A_230] {strides = array<i32>} : memref<26x128xf32, #tpu.memory_space<vmem>>, vector<1x16xf32>,
        %get3A_232 = vector.shape_cast %get3A_231 : vector<1x16xf32> to vector<16xf32>
        %add3A_233 = arith.addf %add3A_227, %get3A_232 : vector<16xf32>
        %get3A_234 = arith.constant 24 : i32
        %get3A_235 = arith.index_cast %get3A_234 : i32 to index
        %get3A_236 = arith.index_cast %mul3A_88 : i32 to index
        %get3A_237 = tpu.vector_load %arg16[%get3A_235, %get3A_236] {strides = array<i32>} : memref<26x128xf32, #tpu.memory_space<vmem>>, vector<1x16xf32>,
        %get3A_238 = vector.shape_cast %get3A_237 : vector<1x16xf32> to vector<16xf32>
        %add3A_239 = arith.addf %add3A_233, %get3A_238 : vector<16xf32>
        %get3A_240 = arith.constant 25 : i32
        %get3A_241 = arith.index_cast %get3A_240 : i32 to index
        %get3A_242 = arith.index_cast %mul3A_88 : i32 to index
        %get3A_243 = tpu.vector_load %arg16[%get3A_241, %get3A_242] {strides = array<i32>} : memref<26x128xf32, #tpu.memory_space<vmem>>, vector<1x16xf32>,
        %get3A_244 = vector.shape_cast %get3A_243 : vector<1x16xf32> to vector<16xf32>
        %add3A_245 = arith.addf %add3A_239, %get3A_244 : vector<16xf32>
        %mul3A_246 = arith.constant 128 : i32
        %mul3A_247 = arith.muli %scan3A_24, %mul3A_246 : i32
        %add3A_248 = arith.constant 0 : i32
        %add3A_249 = arith.addi %add3A_248, %mul3A_247 : i32
        %add3A_250 = arith.addi %add3A_249, %mul3A_88 : i32
        %get3A_251 = arith.index_cast %add3A_250 : i32 to index
        %get3A_252 = tpu.vector_load %arg11[%get3A_251] {strides = array<i32>} : memref<6656xf32, #tpu.memory_space<vmem>>, vector<16xf32>,
        %get3A_253 = vector.shape_cast %get3A_252 : vector<16xf32> to vector<16xf32>
        %slice3A = vector.extract_strided_slice %get3A_10 {offsets = [0], sizes = [1], strides = [1]} : vector<16xf32> to vector<1xf32>
        %squeeze3A = vector.extract %slice3A[0] : f32 from vector<1xf32>
        %mul3A_254 = vector.broadcast %squeeze3A : f32 to vector<16xf32>
        %mul3A_255 = arith.mulf %get3A_253, %mul3A_254 : vector<16xf32>
        %add3A_256 = arith.addf %add3A_245, %mul3A_255 : vector<16xf32>
        %mul3A_257 = arith.constant 128 : i32
        %mul3A_258 = arith.muli %scan3A_24, %mul3A_257 : i32
        %add3A_259 = arith.constant 512 : i32
        %add3A_260 = arith.addi %add3A_259, %mul3A_258 : i32
        %add3A_261 = arith.addi %add3A_260, %mul3A_88 : i32
        %get3A_262 = arith.index_cast %add3A_261 : i32 to index
        %get3A_263 = tpu.vector_load %arg11[%get3A_262] {strides = array<i32>} : memref<6656xf32, #tpu.memory_space<vmem>>, vector<16xf32>,
        %get3A_264 = vector.shape_cast %get3A_263 : vector<16xf32> to vector<16xf32>
        %slice3A_265 = vector.extract_strided_slice %get3A_10 {offsets = [1], sizes = [1], strides = [1]} : vector<16xf32> to vector<1xf32>
        %squeeze3A_266 = vector.extract %slice3A_265[0] : f32 from vector<1xf32>
        %mul3A_267 = vector.broadcast %squeeze3A_266 : f32 to vector<16xf32>
        %mul3A_268 = arith.mulf %get3A_264, %mul3A_267 : vector<16xf32>
        %add3A_269 = arith.addf %add3A_256, %mul3A_268 : vector<16xf32>
        %mul3A_270 = arith.constant 128 : i32
        %mul3A_271 = arith.muli %scan3A_24, %mul3A_270 : i32
        %add3A_272 = arith.constant 1024 : i32
        %add3A_273 = arith.addi %add3A_272, %mul3A_271 : i32
        %add3A_274 = arith.addi %add3A_273, %mul3A_88 : i32
        %get3A_275 = arith.index_cast %add3A_274 : i32 to index
        %get3A_276 = tpu.vector_load %arg11[%get3A_275] {strides = array<i32>} : memref<6656xf32, #tpu.memory_space<vmem>>, vector<16xf32>,
        %get3A_277 = vector.shape_cast %get3A_276 : vector<16xf32> to vector<16xf32>
        %slice3A_278 = vector.extract_strided_slice %get3A_10 {offsets = [2], sizes = [1], strides = [1]} : vector<16xf32> to vector<1xf32>
        %squeeze3A_279 = vector.extract %slice3A_278[0] : f32 from vector<1xf32>
        %mul3A_280 = vector.broadcast %squeeze3A_279 : f32 to vector<16xf32>
        %mul3A_281 = arith.mulf %get3A_277, %mul3A_280 : vector<16xf32>
        %add3A_282 = arith.addf %add3A_269, %mul3A_281 : vector<16xf32>
        %mul3A_283 = arith.constant 128 : i32
        %mul3A_284 = arith.muli %scan3A_24, %mul3A_283 : i32
        %add3A_285 = arith.constant 1536 : i32
        %add3A_286 = arith.addi %add3A_285, %mul3A_284 : i32
        %add3A_287 = arith.addi %add3A_286, %mul3A_88 : i32
        %get3A_288 = arith.index_cast %add3A_287 : i32 to index
        %get3A_289 = tpu.vector_load %arg11[%get3A_288] {strides = array<i32>} : memref<6656xf32, #tpu.memory_space<vmem>>, vector<16xf32>,
        %get3A_290 = vector.shape_cast %get3A_289 : vector<16xf32> to vector<16xf32>
        %slice3A_291 = vector.extract_strided_slice %get3A_10 {offsets = [3], sizes = [1], strides = [1]} : vector<16xf32> to vector<1xf32>
        %squeeze3A_292 = vector.extract %slice3A_291[0] : f32 from vector<1xf32>
        %mul3A_293 = vector.broadcast %squeeze3A_292 : f32 to vector<16xf32>
        %mul3A_294 = arith.mulf %get3A_290, %mul3A_293 : vector<16xf32>
        %add3A_295 = arith.addf %add3A_282, %mul3A_294 : vector<16xf32>
        %mul3A_296 = arith.constant 128 : i32
        %mul3A_297 = arith.muli %scan3A_24, %mul3A_296 : i32
        %add3A_298 = arith.constant 2048 : i32
        %add3A_299 = arith.addi %add3A_298, %mul3A_297 : i32
        %add3A_300 = arith.addi %add3A_299, %mul3A_88 : i32
        %get3A_301 = arith.index_cast %add3A_300 : i32 to index
        %get3A_302 = tpu.vector_load %arg11[%get3A_301] {strides = array<i32>} : memref<6656xf32, #tpu.memory_space<vmem>>, vector<16xf32>,
        %get3A_303 = vector.shape_cast %get3A_302 : vector<16xf32> to vector<16xf32>
        %slice3A_304 = vector.extract_strided_slice %get3A_10 {offsets = [4], sizes = [1], strides = [1]} : vector<16xf32> to vector<1xf32>
        %squeeze3A_305 = vector.extract %slice3A_304[0] : f32 from vector<1xf32>
        %mul3A_306 = vector.broadcast %squeeze3A_305 : f32 to vector<16xf32>
        %mul3A_307 = arith.mulf %get3A_303, %mul3A_306 : vector<16xf32>
        %add3A_308 = arith.addf %add3A_295, %mul3A_307 : vector<16xf32>
        %mul3A_309 = arith.constant 128 : i32
        %mul3A_310 = arith.muli %scan3A_24, %mul3A_309 : i32
        %add3A_311 = arith.constant 2560 : i32
        %add3A_312 = arith.addi %add3A_311, %mul3A_310 : i32
        %add3A_313 = arith.addi %add3A_312, %mul3A_88 : i32
        %get3A_314 = arith.index_cast %add3A_313 : i32 to index
        %get3A_315 = tpu.vector_load %arg11[%get3A_314] {strides = array<i32>} : memref<6656xf32, #tpu.memory_space<vmem>>, vector<16xf32>,
        %get3A_316 = vector.shape_cast %get3A_315 : vector<16xf32> to vector<16xf32>
        %slice3A_317 = vector.extract_strided_slice %get3A_10 {offsets = [5], sizes = [1], strides = [1]} : vector<16xf32> to vector<1xf32>
        %squeeze3A_318 = vector.extract %slice3A_317[0] : f32 from vector<1xf32>
        %mul3A_319 = vector.broadcast %squeeze3A_318 : f32 to vector<16xf32>
        %mul3A_320 = arith.mulf %get3A_316, %mul3A_319 : vector<16xf32>
        %add3A_321 = arith.addf %add3A_308, %mul3A_320 : vector<16xf32>
        %mul3A_322 = arith.constant 128 : i32
        %mul3A_323 = arith.muli %scan3A_24, %mul3A_322 : i32
        %add3A_324 = arith.constant 3072 : i32
        %add3A_325 = arith.addi %add3A_324, %mul3A_323 : i32
        %add3A_326 = arith.addi %add3A_325, %mul3A_88 : i32
        %get3A_327 = arith.index_cast %add3A_326 : i32 to index
        %get3A_328 = tpu.vector_load %arg11[%get3A_327] {strides = array<i32>} : memref<6656xf32, #tpu.memory_space<vmem>>, vector<16xf32>,
        %get3A_329 = vector.shape_cast %get3A_328 : vector<16xf32> to vector<16xf32>
        %slice3A_330 = vector.extract_strided_slice %get3A_10 {offsets = [6], sizes = [1], strides = [1]} : vector<16xf32> to vector<1xf32>
        %squeeze3A_331 = vector.extract %slice3A_330[0] : f32 from vector<1xf32>
        %mul3A_332 = vector.broadcast %squeeze3A_331 : f32 to vector<16xf32>
        %mul3A_333 = arith.mulf %get3A_329, %mul3A_332 : vector<16xf32>
        %add3A_334 = arith.addf %add3A_321, %mul3A_333 : vector<16xf32>
        %mul3A_335 = arith.constant 128 : i32
        %mul3A_336 = arith.muli %scan3A_24, %mul3A_335 : i32
        %add3A_337 = arith.constant 3584 : i32
        %add3A_338 = arith.addi %add3A_337, %mul3A_336 : i32
        %add3A_339 = arith.addi %add3A_338, %mul3A_88 : i32
        %get3A_340 = arith.index_cast %add3A_339 : i32 to index
        %get3A_341 = tpu.vector_load %arg11[%get3A_340] {strides = array<i32>} : memref<6656xf32, #tpu.memory_space<vmem>>, vector<16xf32>,
        %get3A_342 = vector.shape_cast %get3A_341 : vector<16xf32> to vector<16xf32>
        %slice3A_343 = vector.extract_strided_slice %get3A_10 {offsets = [7], sizes = [1], strides = [1]} : vector<16xf32> to vector<1xf32>
        %squeeze3A_344 = vector.extract %slice3A_343[0] : f32 from vector<1xf32>
        %mul3A_345 = vector.broadcast %squeeze3A_344 : f32 to vector<16xf32>
        %mul3A_346 = arith.mulf %get3A_342, %mul3A_345 : vector<16xf32>
        %add3A_347 = arith.addf %add3A_334, %mul3A_346 : vector<16xf32>
        %mul3A_348 = arith.constant 128 : i32
        %mul3A_349 = arith.muli %scan3A_24, %mul3A_348 : i32
        %add3A_350 = arith.constant 4096 : i32
        %add3A_351 = arith.addi %add3A_350, %mul3A_349 : i32
        %add3A_352 = arith.addi %add3A_351, %mul3A_88 : i32
        %get3A_353 = arith.index_cast %add3A_352 : i32 to index
        %get3A_354 = tpu.vector_load %arg11[%get3A_353] {strides = array<i32>} : memref<6656xf32, #tpu.memory_space<vmem>>, vector<16xf32>,
        %get3A_355 = vector.shape_cast %get3A_354 : vector<16xf32> to vector<16xf32>
        %slice3A_356 = vector.extract_strided_slice %get3A_10 {offsets = [8], sizes = [1], strides = [1]} : vector<16xf32> to vector<1xf32>
        %squeeze3A_357 = vector.extract %slice3A_356[0] : f32 from vector<1xf32>
        %mul3A_358 = vector.broadcast %squeeze3A_357 : f32 to vector<16xf32>
        %mul3A_359 = arith.mulf %get3A_355, %mul3A_358 : vector<16xf32>
        %add3A_360 = arith.addf %add3A_347, %mul3A_359 : vector<16xf32>
        %mul3A_361 = arith.constant 128 : i32
        %mul3A_362 = arith.muli %scan3A_24, %mul3A_361 : i32
        %add3A_363 = arith.constant 4608 : i32
        %add3A_364 = arith.addi %add3A_363, %mul3A_362 : i32
        %add3A_365 = arith.addi %add3A_364, %mul3A_88 : i32
        %get3A_366 = arith.index_cast %add3A_365 : i32 to index
        %get3A_367 = tpu.vector_load %arg11[%get3A_366] {strides = array<i32>} : memref<6656xf32, #tpu.memory_space<vmem>>, vector<16xf32>,
        %get3A_368 = vector.shape_cast %get3A_367 : vector<16xf32> to vector<16xf32>
        %slice3A_369 = vector.extract_strided_slice %get3A_10 {offsets = [9], sizes = [1], strides = [1]} : vector<16xf32> to vector<1xf32>
        %squeeze3A_370 = vector.extract %slice3A_369[0] : f32 from vector<1xf32>
        %mul3A_371 = vector.broadcast %squeeze3A_370 : f32 to vector<16xf32>
        %mul3A_372 = arith.mulf %get3A_368, %mul3A_371 : vector<16xf32>
        %add3A_373 = arith.addf %add3A_360, %mul3A_372 : vector<16xf32>
        %mul3A_374 = arith.constant 128 : i32
        %mul3A_375 = arith.muli %scan3A_24, %mul3A_374 : i32
        %add3A_376 = arith.constant 5120 : i32
        %add3A_377 = arith.addi %add3A_376, %mul3A_375 : i32
        %add3A_378 = arith.addi %add3A_377, %mul3A_88 : i32
        %get3A_379 = arith.index_cast %add3A_378 : i32 to index
        %get3A_380 = tpu.vector_load %arg11[%get3A_379] {strides = array<i32>} : memref<6656xf32, #tpu.memory_space<vmem>>, vector<16xf32>,
        %get3A_381 = vector.shape_cast %get3A_380 : vector<16xf32> to vector<16xf32>
        %slice3A_382 = vector.extract_strided_slice %get3A_10 {offsets = [10], sizes = [1], strides = [1]} : vector<16xf32> to vector<1xf32>
        %squeeze3A_383 = vector.extract %slice3A_382[0] : f32 from vector<1xf32>
        %mul3A_384 = vector.broadcast %squeeze3A_383 : f32 to vector<16xf32>
        %mul3A_385 = arith.mulf %get3A_381, %mul3A_384 : vector<16xf32>
        %add3A_386 = arith.addf %add3A_373, %mul3A_385 : vector<16xf32>
        %mul3A_387 = arith.constant 128 : i32
        %mul3A_388 = arith.muli %scan3A_24, %mul3A_387 : i32
        %add3A_389 = arith.constant 5632 : i32
        %add3A_390 = arith.addi %add3A_389, %mul3A_388 : i32
        %add3A_391 = arith.addi %add3A_390, %mul3A_88 : i32
        %get3A_392 = arith.index_cast %add3A_391 : i32 to index
        %get3A_393 = tpu.vector_load %arg11[%get3A_392] {strides = array<i32>} : memref<6656xf32, #tpu.memory_space<vmem>>, vector<16xf32>,
        %get3A_394 = vector.shape_cast %get3A_393 : vector<16xf32> to vector<16xf32>
        %slice3A_395 = vector.extract_strided_slice %get3A_10 {offsets = [11], sizes = [1], strides = [1]} : vector<16xf32> to vector<1xf32>
        %squeeze3A_396 = vector.extract %slice3A_395[0] : f32 from vector<1xf32>
        %mul3A_397 = vector.broadcast %squeeze3A_396 : f32 to vector<16xf32>
        %mul3A_398 = arith.mulf %get3A_394, %mul3A_397 : vector<16xf32>
        %add3A_399 = arith.addf %add3A_386, %mul3A_398 : vector<16xf32>
        %mul3A_400 = arith.constant 128 : i32
        %mul3A_401 = arith.muli %scan3A_24, %mul3A_400 : i32
        %add3A_402 = arith.constant 6144 : i32
        %add3A_403 = arith.addi %add3A_402, %mul3A_401 : i32
        %add3A_404 = arith.addi %add3A_403, %mul3A_88 : i32
        %get3A_405 = arith.index_cast %add3A_404 : i32 to index
        %get3A_406 = tpu.vector_load %arg11[%get3A_405] {strides = array<i32>} : memref<6656xf32, #tpu.memory_space<vmem>>, vector<16xf32>,
        %get3A_407 = vector.shape_cast %get3A_406 : vector<16xf32> to vector<16xf32>
        %slice3A_408 = vector.extract_strided_slice %get3A_10 {offsets = [12], sizes = [1], strides = [1]} : vector<16xf32> to vector<1xf32>
        %squeeze3A_409 = vector.extract %slice3A_408[0] : f32 from vector<1xf32>
        %mul3A_410 = vector.broadcast %squeeze3A_409 : f32 to vector<16xf32>
        %mul3A_411 = arith.mulf %get3A_407, %mul3A_410 : vector<16xf32>
        %add3A_412 = arith.addf %add3A_399, %mul3A_411 : vector<16xf32>
        %swap3A = arith.index_cast %mul3A_88 : i32 to index
        %swap3A_413 = tpu.vector_load %arg18[%swap3A] {strides = array<i32>} : memref<128xf32, #tpu.memory_space<vmem>>, vector<16xf32>,
        %swap3A_414 = vector.shape_cast %swap3A_413 : vector<16xf32> to vector<16xf32>
        %swap3A_415 = vector.shape_cast %add3A_412 : vector<16xf32> to vector<16xf32>
        tpu.vector_store %arg18[%swap3A], %swap3A_415 {strides = array<i32>} : memref<128xf32, #tpu.memory_space<vmem>>, vector<16xf32>,
        %scan3A_416 = arith.constant 0 : i32
        scf.yield %scan3A_416 : i32
      }
      %scan3A_67 = arith.constant 8 : i32
      %dma_wait3A_68 = arith.constant 0 : i32
      %dma_wait3A_69 = tpu.memref_slice %arg17[%dma_wait3A_68] : memref<79872xf32, #tpu.memory_space<vmem>> -> memref<53248xf32, #tpu.memory_space<vmem>>
      %dma_wait3A_70 = arith.constant 0 : i32
      %dma_wait3A_71 = tpu.memref_slice %arg9[%dma_wait3A_70] : memref<10223616xf32, #tpu.memory_space<hbm>> -> memref<53248xf32, #tpu.memory_space<hbm>>
      %dma_wait3A_72 = arith.constant 0 : i32
      %dma_wait3A_73 = tpu.memref_slice %arg17[%dma_wait3A_72] : memref<79872xf32, #tpu.memory_space<vmem>> -> memref<53248xf32, #tpu.memory_space<vmem>>
      %dma_wait3A_74 = arith.constant 0 : i32
      %dma_wait3A_75 = tpu.memref_slice %arg9[%dma_wait3A_74] : memref<10223616xf32, #tpu.memory_space<hbm>> -> memref<53248xf32, #tpu.memory_space<hbm>>
      tpu.wait_dma2 semaphore(%arg19 : memref<!tpu.dma_semaphore, #tpu.memory_space<semaphore_mem>>) src(%dma_wait3A_75 : memref<53248xf32, #tpu.memory_space<hbm>>) dst(%dma_wait3A_73 : memref<53248xf32, #tpu.memory_space<vmem>>)
      %scan3A_76 = arith.constant 0 : i32
      %scan3A_77 = arith.constant 0 : i32
      %scan3A_78 = arith.constant 78 : i32
      %scan3A_79 = arith.addi %scan3A_77, %scan3A_78 : i32
      %scan3A_80 = arith.constant 1 : i32
      %scan3A_81 = scf.for %scan3A_85 = %scan3A_77 to %scan3A_79 step %scan3A_80 iter_args(%scan3A_86 = %scan3A_76) -> (i32)  : i32 {
        %shift_right_arithmetic3A = arith.constant 1 : i32
        %shift_right_arithmetic3A_87 = arith.shrsi %scan3A_85, %shift_right_arithmetic3A : i32
        %and3A = arith.constant 1 : i32
        %and3A_88 = arith.andi %scan3A_85, %and3A : i32
        %mul3A_89 = arith.constant 2048 : i32
        %mul3A_90 = arith.muli %shift_right_arithmetic3A_87, %mul3A_89 : i32
        %mul3A_91 = arith.constant 1024 : i32
        %mul3A_92 = arith.muli %and3A_88, %mul3A_91 : i32
        %add3A_93 = arith.addi %mul3A_90, %mul3A_92 : i32
        %mul3A_94 = arith.constant 262144 : i32
        %mul3A_95 = arith.muli %shift_right_arithmetic3A_87, %mul3A_94 : i32
        %mul3A_96 = arith.constant 131072 : i32
        %mul3A_97 = arith.muli %and3A_88, %mul3A_96 : i32
        %add3A_98 = arith.addi %mul3A_95, %mul3A_97 : i32
        %mul3A_99 = arith.constant 8 : i32
        %mul3A_100 = arith.muli %add3A_30, %mul3A_99 : i32
        %add3A_101 = arith.addi %add3A_98, %mul3A_100 : i32
        %dma_start3A_102 = tpu.memref_slice %arg17[%add3A_93] : memref<79872xf32, #tpu.memory_space<vmem>> -> memref<1024xf32, #tpu.memory_space<vmem>>
        %dma_start3A_103 = tpu.memref_slice %arg9[%add3A_101] : memref<10223616xf32, #tpu.memory_space<hbm>> -> memref<1024xf32, #tpu.memory_space<hbm>>
        %dma_start3A_104 = tpu.memref_slice %arg9[%add3A_101] : memref<10223616xf32, #tpu.memory_space<hbm>> -> memref<1024xf32, #tpu.memory_space<hbm>>
        %dma_start3A_105 = tpu.memref_slice %arg17[%add3A_93] : memref<79872xf32, #tpu.memory_space<vmem>> -> memref<1024xf32, #tpu.memory_space<vmem>>
        tpu.enqueue_dma source(%dma_start3A_105 : memref<1024xf32, #tpu.memory_space<vmem>>) target(%dma_start3A_104 : memref<1024xf32, #tpu.memory_space<hbm>>) target_semaphore(%arg21 : memref<!tpu.dma_semaphore, #tpu.memory_space<semaphore_mem>>)
        %scan3A_106 = arith.constant 0 : i32
        scf.yield %scan3A_106 : i32
      }
      %scan3A_82 = arith.constant 78 : i32
      %dma_start3A = tpu.memref_slice %arg8[%add3A_30] : memref<16384xf32, #tpu.memory_space<hbm>> -> memref<128xf32, #tpu.memory_space<hbm>>
      %dma_start3A_83 = tpu.memref_slice %arg8[%add3A_30] : memref<16384xf32, #tpu.memory_space<hbm>> -> memref<128xf32, #tpu.memory_space<hbm>>
      tpu.enqueue_dma source(%arg18 : memref<128xf32, #tpu.memory_space<vmem>>) target(%dma_start3A_83 : memref<128xf32, #tpu.memory_space<hbm>>) target_semaphore(%arg21 : memref<!tpu.dma_semaphore, #tpu.memory_space<semaphore_mem>>)
      %scan3A_84 = arith.constant 0 : i32
      scf.yield %scan3A_84 : i32
    }
    %scan3A_16 = arith.constant 4 : i32
    %dma_wait3A = arith.constant 0 : i32
    %dma_wait3A_17 = tpu.memref_slice %arg9[%dma_wait3A] : memref<10223616xf32, #tpu.memory_space<hbm>> -> memref<79872xf32, #tpu.memory_space<hbm>>
    %dma_wait3A_18 = arith.constant 0 : i32
    %dma_wait3A_19 = tpu.memref_slice %arg9[%dma_wait3A_18] : memref<10223616xf32, #tpu.memory_space<hbm>> -> memref<79872xf32, #tpu.memory_space<hbm>>
    tpu.wait_dma2 semaphore(%arg21 : memref<!tpu.dma_semaphore, #tpu.memory_space<semaphore_mem>>) src(%arg17 : memref<79872xf32, #tpu.memory_space<vmem>>) dst(%dma_wait3A_19 : memref<79872xf32, #tpu.memory_space<hbm>>)
    %dma_wait3A_20 = arith.constant 0 : i32
    %dma_wait3A_21 = tpu.memref_slice %arg8[%dma_wait3A_20] : memref<16384xf32, #tpu.memory_space<hbm>> -> memref<128xf32, #tpu.memory_space<hbm>>
    %dma_wait3A_22 = arith.constant 0 : i32
    %dma_wait3A_23 = tpu.memref_slice %arg8[%dma_wait3A_22] : memref<16384xf32, #tpu.memory_space<hbm>> -> memref<128xf32, #tpu.memory_space<hbm>>
    tpu.wait_dma2 semaphore(%arg21 : memref<!tpu.dma_semaphore, #tpu.memory_space<semaphore_mem>>) src(%arg18 : memref<128xf32, #tpu.memory_space<vmem>>) dst(%dma_wait3A_23 : memref<128xf32, #tpu.memory_space<hbm>>)
    return
  }
}

</mosaic_0001>

<sc_bundles>
// kernel: kernel.3.cloned.1.call-start
scs
__scs_entry_jumppad:
0x0: {  	(pc) =	sbr.rel $0x88, $3  }
0x1: {  	(tag) =	ssettag $0x0;
	lr =	simm.s32 $0x1  }
0x2: {  	[smem:$0x3F9B] =	sst lr;
	_ =	strace $0xD0000000  }
0x3: {  	_ = 	snop  }
0x4: {  	_ = 	snop  }
0x5: {  	_ = 	snop  }
0x6: {  	_ = 	snop  }
0x7: {  	_ = 	snop  }
__scs_overlays_trampoline_lowered:
0x8: {  	[smem:$0x3FAA] =	sst s0  }
0x9: {  	[smem:$0x3FAB] =	sst s1  }
0xa: {  	[smem:$0x3FAC] =	sst s2  }
0xb: {  	[smem:$0x3FAD] =	sst s3  }
0xc: {  	[smem:$0x3FAE] =	sst s4  }
0xd: {  	[smem:$0x3FAF] =	sst s5  }
0xe: {  	[smem:$0x3FB0] =	sst s6  }
0xf: {  	[smem:$0x3FB1] =	sst s7  }
0x10: {  	[smem:$0x3FB2] =	sst s8  }
0x11: {  	[smem:$0x3FB3] =	sst s9;
	s0 =	simm.s32 @!p0 $0x0  }
0x12: {  	s1 =	sld [smem:$0x3F99];
	s0 =	simm.s32 @p0 $0x1  }
0x13: {  	[smem:$0x3FB4] =	sst s0;
	s0 =	simm.s32 @!p1 $0x0  }
0x14: {  	s2 =	sld [smem:$0x3F98];
	s0 =	simm.s32 @p1 $0x1  }
0x15: {  	[smem:$0x3FB5] =	sst s0;
	s0 =	simm.s32 @!p2 $0x0  }
0x16: {  	s3 =	sld [smem:$0x3FDB];
	s0 =	simm.s32 @p2 $0x1  }
0x17: {  	s4 =	simm.s32 $0x1BF5;
	[smem:$0x3FB7] =	sst s0  }
0x18: {  	s0 =	sld [smem:$0x3F9A];
	_ =	swait.ge [sflag:s4], $0x0  }
0x19: {  	s7 =	sld [smem:$0x3F9B]  }
0x1a: {  	s8 =	sadd.s32 $0xFFFFE003, lr  }
0x1b: {  	s9 =	sadd.s32 $0xFFFFFEF7, lr;
	s5 =	simm.s32 $0xFFFFFFFF;
	p2 =	slt.u32 s8, $0xFFFFF086  }
0x1c: {  	p1 =	slt.u32 s9, $0xF7A;
	s5 =	simm.s32 @!p2 $0x0  }
0x1d: {  	s5 =	simm.s32 @p1 $0x1;
	p0 =	seq.s32 s7, s2  }
0x1e: {  	s7 =	smul.u32 @!p0 $0xF7A, s2;
	p2 =	seq.s32 @!p0 s5, $0x0  }
0x1f: {  	s9 =	smul.u32 $0xF7A, s1;
	s8 =	simm.s32 @!p0 $0x1BF5;
	p2 =	por !p2, p0  }
0x20: {  	[sflag:s8] =	ssyncset.s32 @!p0 $0xFFFFF086;
	s6 =	sadd.s32 @!p0 s3, s7;
	s7 =	simm.s32 @!p0 $0x108  }
0x21: {  	s3 =	sadd.s32 s3, s9;
	s6 =	sadd.s32 @!p0 $0x88, s6;
	s7 =	simm.s32 @p2 $0x1082  }
0x22: {  	[simem:s7], [sflag:s8] =	dma.local @!p0 [hbm:s6], $0xF7A  }
0x23: {  	s9 =	sor.u32 $0xD0000000, s2;
	s6 =	simm.s32 $0x108;
	_ =	swait.ge @!p0 [sflag:s8], $0x0  }
0x24: {  	s3 =	sadd.s32 $0x88, s3;
	s6 =	simm.s32 @!p1 $0x1082;
	[sflag:s4] =	ssyncset.s32 $0xFFFFF086  }
0x25: {  	[simem:s6], [sflag:s4] =	dma.local [hbm:s3], $0xF7A  }
0x26: {  	[smem:$0x3F9B] =	sst s1;
	(tag) =	ssettag s2;
	_ =	strace s9  }
0x27: {  	s1 =	sld [smem:$0x3FAB]  }
0x28: {  	s2 =	sld [smem:$0x3FAC]  }
0x29: {  	s4 =	sld [smem:$0x3FAE]  }
0x2a: {  	p0 =	seq.s32 s5, $0x0;
	s5 =	sld [smem:$0x3FAF]  }
0x2b: {  	s6 =	sld [smem:$0x3FB0]  }
0x2c: {  	s7 =	sld [smem:$0x3FB1]  }
0x2d: {  	s3 =	simm.s32 $0x108;
	s8 =	sld [smem:$0x3FB2]  }
0x2e: {  	s3 =	simm.s32 @!p0 $0x1082;
	s9 =	sld [smem:$0x3FB3]  }
0x2f: {  	lr =	sadd.s32 s0, s3;
	s0 =	sld [smem:$0x3FAA]  }
0x30: {  	s3 =	sld [smem:$0x3FAD]  }
0x31: {  	[smem:$0x3FB6] =	sst s10  }
0x32: {  	s10 =	sld [smem:$0x3FB4];
	_ =	sdelay $0x3  }
0x33: {  	p0 =	seq.s32 s10, $0x1;
	s10 =	sld [smem:$0x3FB6];
	_ =	sdelay $0x3  }
0x34: {  	[smem:$0x3FB6] =	sst s10  }
0x35: {  	s10 =	sld [smem:$0x3FB5];
	_ =	sdelay $0x3  }
0x36: {  	p1 =	seq.s32 s10, $0x1;
	s10 =	sld [smem:$0x3FB6];
	_ =	sdelay $0x3  }
0x37: {  	[smem:$0x3FB6] =	sst s10  }
0x38: {  	s10 =	sld [smem:$0x3FB7]  }
0x39: {  	_ = 	snop;
	(pc) =	sbr.ind lr, $3  }
0x3a: {  	_ = 	snop  }
0x3b: {  	_ = 	snop  }
0x3c: {  	p2 =	seq.s32 s10, $0x1;
	s10 =	sld [smem:$0x3FB6]  }
0x3d: {  	_ =	shalt  }
0x3e: {  	_ =	shalt  }
0x3f: {  	_ =	shalt  }
0x40: {  	_ =	shalt  }
0x41: {  	_ =	shalt  }
0x42: {  	_ =	shalt  }
0x43: {  	_ =	shalt  }
0x44: {  	_ =	shalt  }
0x45: {  	_ =	shalt  }
0x46: {  	_ =	shalt  }
0x47: {  	_ =	shalt  }
0x48: {  	_ =	shalt  }
0x49: {  	_ =	shalt  }
0x4a: {  	_ =	shalt  }
0x4b: {  	_ =	shalt  }
0x4c: {  	_ =	shalt  }
0x4d: {  	_ =	shalt  }
0x4e: {  	_ =	shalt  }
0x4f: {  	_ =	shalt  }
0x50: {  	_ =	shalt  }
0x51: {  	_ =	shalt  }
0x52: {  	_ =	shalt  }
0x53: {  	_ =	shalt  }
0x54: {  	_ =	shalt  }
0x55: {  	_ =	shalt  }
0x56: {  	_ =	shalt  }
0x57: {  	_ =	shalt  }
0x58: {  	_ =	shalt  }
0x59: {  	_ =	shalt  }
0x5a: {  	_ =	shalt  }
0x5b: {  	_ =	shalt  }
0x5c: {  	_ =	shalt  }
0x5d: {  	_ =	shalt  }
0x5e: {  	_ =	shalt  }
0x5f: {  	_ =	shalt  }
0x60: {  	_ =	shalt  }
0x61: {  	_ =	shalt  }
0x62: {  	_ =	shalt  }
0x63: {  	_ =	shalt  }
0x64: {  	_ =	shalt  }
0x65: {  	_ =	shalt  }
0x66: {  	_ =	shalt  }
0x67: {  	_ =	shalt  }
0x68: {  	_ =	shalt  }
0x69: {  	_ =	shalt  }
0x6a: {  	_ =	shalt  }
0x6b: {  	_ =	shalt  }
0x6c: {  	_ =	shalt  }
0x6d: {  	_ =	shalt  }
0x6e: {  	_ =	shalt  }
0x6f: {  	_ =	shalt  }
0x70: {  	_ =	shalt  }
0x71: {  	_ =	shalt  }
0x72: {  	_ =	shalt  }
0x73: {  	_ =	shalt  }
0x74: {  	_ =	shalt  }
0x75: {  	_ =	shalt  }
0x76: {  	_ =	shalt  }
0x77: {  	_ =	shalt  }
0x78: {  	_ =	shalt  }
0x79: {  	_ =	shalt  }
0x7a: {  	_ =	shalt  }
0x7b: {  	_ =	shalt  }
0x7c: {  	_ =	shalt  }
0x7d: {  	_ =	shalt  }
0x7e: {  	_ =	shalt  }
0x7f: {  	_ =	shalt  }
0x80: {  	_ =	shalt  }
0x81: {  	_ =	shalt  }
0x82: {  	_ =	shalt  }
0x83: {  	_ =	shalt  }
0x84: {  	_ =	shalt  }
0x85: {  	_ =	shalt  }
0x86: {  	_ =	shalt  }
0x87: {  	_ =	shalt  }
.Lfunc_end0:
.L_simem_size_0:
called_computation_lowered:
.L_overlay_start_0:
0x88: {  	s2 =	sld [smem:$0x3FD9]  }
0x89: {  	s3 =	sld [smem:$0x3FFE];
	_ =	sdelay $0x1  }
0x8a: {  	s1 =	srdreg.scid  }
0x8b: {  	s0 =	sand.u32 $0x1, s1  }
0x8c: {  	s14 =	sshll.u32 s0, $0xA;
	s2 =	sadd.s32 s3, s2  }
0x8d: {  	s2 =	sadd.s32 s2, s14  }
0x8e: {  	[smem:$0x3FC2] =	sst s2  }
0x8f: {  	_ = 	snop  }
0x90: {  	s2 =	sld [smem:$0x3FD0];
	_ =	sdelay $0x2  }
0x91: {  	s4 =	simm.s32 $0xA;
	s5 =	simm.s32 $0x10;
	s15 =	sld [smem:$0x3FC5]  }
0x92: {  	[smem:s5], [sflag:s4] =	dma.local [hbm:s2], $0x1  }
0x93: {  	_ =	swait.eq [sflag:s4], $0x1  }
0x94: {  	[sflag:s4] =	ssyncset.done $0x0  }
0x95: {  	s16 =	sld [smem:$0x10];
	[sflag:s4] =	ssyncadd.s32 $0xFFFFFFFF  }
0x96: {  	s17 =	sld [smem:$0x11];
	(tm) =	ssettm $0x1  }
0x97: {  	s18 =	sld [smem:$0x3FFB];
	_ =	sdelay $0x3  }
0x98: {  	_ =	strace s18  }
0x99: {  	s5 =	sld [smem:$0x3FFC];
	_ =	sdelay $0x3  }
0x9a: {  	_ =	strace s5  }
0x9b: {  	s5 =	sld [smem:$0x3FFD];
	_ =	sdelay $0x3  }
0x9c: {  	_ =	strace s5  }
0x9d: {  	_ =	strace $0x8FFFFFFF  }
0x9e: {  	s19 =	sld [smem:$0x3FDB];
	_ =	sdelay $0x1  }
0x9f: {  	s6 =	simm.s32 $_scs_section_size  }
0xa0: {  	s7 =	simm.s32 $_size__tile_overlayer_lowered;
	s8 =	simm.s32 $_tile_overlayer_lowered  }
0xa1: {  	s22 =	simm.s32 $0x1BFF;
	s21 =	sshll.u32 s8, $0x1;
	s5 =	sadd.s32 s6, s19  }
0xa2: {  	s9 =	simm.s32 $0x0;
	s20 =	sshll.u32 s7, $0x1;
	s7 =	sadd.s32 s21, s5  }
0xa3: {  	[timem:s9], [sflag:s22] =	dma.local [hbm:s7], s20  }
0xa4: {  	_ =	swait.ge [sflag:s22], s20  }
0xa5: {  	s6 =	ssub.s32 $0x0, s20;
	[sflag:s22] =	ssyncset.done $0x0  }
0xa6: {  	[sflag:s22] =	ssyncadd.s32 s6;
	_ =	sdelay $0x1  }
0xa7: {  	s23 =	simm.s32 $0x1B8B  }
0xa8: {  	_ =	swait.ge [sflag:s23], $0x1  }
0xa9: {  	[sflag:s23] =	ssyncset.done $0x0  }
0xaa: {  	s25 =	simm.s32 $0x1B8E;
	s24 =	sld [smem:$0x3FFE];
	[sflag:s23] =	ssyncadd.s32 $0xFFFFFFFF  }
0xab: {  	s26 =	simm.s32 $execute0_lowered;
	[smem:$0x3FD2] =	sst s25  }
0xac: {  	s7 =	sshll.u32 s26, $0x1;
	_ =	strace $0x80000046;
	[dreg:$0x1] =	wrdreg $0xFFFFFFFF  }
0xad: {  	s28 =	simm.s32 $_size_execute0_lowered;
	s5 =	sadd.s32 s5, s7;
	[dreg:$0x0] =	wrdreg $0x0  }
0xae: {  	s7 =	sshll.u32 s28, $0x1;
	[dreg:$0x2] =	wrdreg s5  }
0xaf: {  	[dreg:$0x3] =	wrdreg s7  }
0xb0: {  	[dreg:$0x4] =	wrdreg $0xC0  }
0xb1: {  	_ =	task [dreg:s9], $0x5FFFF  }
0xb2: {  	[dreg:$0x1] =	wrdreg $0xFFFFFFFF  }
0xb3: {  	[dreg:$0x0] =	wrdreg $0x60  }
0xb4: {  	[dreg:$0x2] =	wrdreg s24  }
0xb5: {  	[dreg:$0x3] =	wrdreg s15  }
0xb6: {  	[dreg:$0x4] =	wrdreg s16  }
0xb7: {  	[dreg:$0x5] =	wrdreg s17  }
0xb8: {  	[dreg:$0x6] =	wrdreg $0x9  }
0xb9: {  	_ =	task.clear_ibuf [dreg:s9], $0x7FFFF;
	_ =	strace $0x90000046  }
0xba: {  	s29 =	simm.s32 $0x9;
	_ =	strace $0x80000048  }
0xbb: {  	_ =	swait.ge [sflag:s29], $0x1  }
0xbc: {  	[sflag:s29] =	ssyncadd.s32 $0xFFFFFFFF  }
0xbd: {  	_ =	strace $0x90000048  }
0xbe: {  	_ =	sfence  }
0xbf: {  	s30 =	sld [smem:$0x0];
	_ =	sdelay $0x2  }
0xc0: {  	s31 =	sshll.u32 s1, $0xD;
	s1 =	sshrl.u32 s1, $0x2  }
0xc1: {  	s3 =	sand.u32 $0x4000, s31;
	s1 =	sadd.s32 s1, s30  }
0xc2: {  	s0 =	sor.u32 s3, s0;
	s1 =	sshll.u32 s1, $0x11  }
0xc3: {  	s0 =	sor.u32 s1, s0  }
0xc4: {  	s0 =	sadd.s32 $0x8F2B, s0  }
0xc5: {  	[sflag:s0] =	ssyncadd.remote.s32 $0x1  }
0xc6: {  	_ =	sfence.sel $0xFFFF  }
0xc7: {  	[dreg:$0x0] =	wrdreg $0xFFFFFFFF;
	(pc) =	sbr.abs _section_cstart, $3  }
0xc8: {  	[dreg:$0x1] =	wrdreg $0xFFFFFFFF  }
0xc9: {  	_ =	task.clear_ibuf [dreg:s9], $0x2FFFF;
	_ =	strace $0x9FFFFFFF  }
0xca: {  	(tm) =	ssettm $0x7FFFFFFF  }
0xcb: {  	_ =	shalt  }
tec
execute0_lowered:
.L_overlay_start_1:
0x0: {  	(tag) =	ssettag $0x1  }
0x1: {  	s0 =	rddreg [dreg:$0x0]  }
0x2: {  	s1 =	rddreg [dreg:$0x1];
	s2 =	srdreg.scid  }
0x3: {  	s3 =	stileid.u32;
	s5 =	simm.s32 $0x0;
	s16 =	simm.s32 $0x80  }
0x4: {  	s9 =	simm.s32 $0x5A60;
	s10 =	simm.s32 $0x6760;
	s12 =	simm.s32 $0x5AE0  }
0x5: {  	s13 =	simm.s32 $0x67E0;
	s17 =	simm.s32 $0x2;
	s18 =	simm.s32 $0x1  }
0x6: {  	s19 =	simm.s32 $0x1A0E0;
	s2 =	sand.u32 $0x1, s2;
	s3 =	sshll.u32 s3, $0x1  }
0x7: {  	s14 =	simm.s32 $0x0;
	[smem:$0x7FF] =	sst s5;
	s3 =	sor.u32 s2, s3  }
0x8: {  	s8 =	sadd.s32 $0x33A00, s0;
	_ =	strace $0x80000047;
	s4 =	smul.u32 $0x680, s3  }
0x9: {  	s2 =	ssub.s32 $0x2, s2;
	[dreg:$0x5] =	wrdreg s8;
	s6 =	smul.u32 $0x340, s3  }
0xa: {  	s8 =	simm.s32 $0x66E0;
	s29 =	sshrl.u32 s2, $0x1;
	s4 =	sadd.s32 s4, s0  }
0xb: {  	s7 =	sadd.s32 s6, s0;
	s6 =	sadd.s32 $0x13E00, s0;
	s0 =	sadd.s32 $0x400, s0  }
0xc: {  	s11 =	sshll.u32 s3, $0x9;
	[dreg:$0x6] =	wrdreg s0;
	s30 =	sadd.s32 $0x6E00, s4  }
0xd: {  	s0 =	ssub.s32 s2, s29;
	s31 =	sadd.s32 $0x600, s7;
	[dreg:$0x7] =	wrdreg s30  }
0xe: {  	s3 =	simm.s32 $0x5B60;
	[dreg:$0x8] =	wrdreg s31;
	s0 =	smax.u32 s0, $0x1  }
0xf: {  	vm0 =	vmmov $0xffff;
	s7 =	simm.s32 $0x59E0;
	s4 =	simm.s32 $0x6860;
	[dreg:$0x9] =	wrdreg s0  }
.LBB2_1:
0x10: {  	[dreg:$0xa] =	wrdreg s14  }
0x11: {  	s0 =	rddreg [dreg:$0x7];
	s2 =	simm.s32 $0x4  }
0x12: {  	[tilespmem:s5], [sflag:$0x4] =	stream.linear.gather [hbm4b:s0+s5], $0x3400, $0x38;
	[tilespmem:$0x1A160] =	vst v63  }
0x13: {  	_ =	swait.ge [sflag:s2], $0x3400  }
0x14: {  	[sflag:s2] =	ssyncset.done $0x0  }
0x15: {  	s20 =	simm.s32 $0x3400;
	s26 =	rddreg [dreg:$0x8];
	[sflag:s2] =	ssyncadd.s32 $0xFFFFCC00  }
0x16: {  	[tilespmem:s20], [sflag:$0x4] =	stream.linear.gather [hbm4b:s26+s5], $0x1A00, $0x38;
	[tilespmem:$0x1A160] =	vst v63  }
0x17: {  	_ =	swait.ge [sflag:s2], $0x1A00  }
0x18: {  	[sflag:s2] =	ssyncset.done $0x0  }
0x19: {  	s29 =	simm.s32 $0x4E00;
	s28 =	rddreg [dreg:$0x6];
	[sflag:s2] =	ssyncadd.s32 $0xFFFFE600  }
0x1a: {  	[tilespmem:s29], [sflag:$0x4] =	stream.linear.gather [hbm4b:s28+s5], $0xD0, $0x38;
	[tilespmem:$0x1A160] =	vst v63  }
0x1b: {  	_ =	swait.ge [sflag:s2], $0xD0  }
0x1c: {  	[sflag:s2] =	ssyncset.done $0x0  }
0x1d: {  	s31 =	simm.s32 $0x4ED0;
	s30 =	rddreg [dreg:$0x5];
	[sflag:s2] =	ssyncadd.s32 $0xFFFFFF30  }
0x1e: {  	[tilespmem:s31], [sflag:$0x4] =	stream.linear.gather [hbm4b:s30+s5], $0x10, $0x38;
	[tilespmem:$0x1A160] =	vst v63  }
0x1f: {  	_ =	swait.ge [sflag:s2], $0x10  }
0x20: {  	[sflag:s2] =	ssyncset.done $0x0  }
0x21: {  	[sflag:s2] =	ssyncadd.s32 $0xFFFFFFF0  }
0x22: {  	v12 =	vld [tilespmem:$0x4ED0];
	_ =	sdelay $0x4  }
0x23: {  	v0 =	vbroadcast v12, $0x0  }
0x24: {  	v1 =	vbroadcast v12, $0x1;
	v2 =	vbroadcast v12, $0x2  }
0x25: {  	v3 =	vbroadcast v12, $0x3;
	v4 =	vbroadcast v12, $0x4  }
0x26: {  	v5 =	vbroadcast v12, $0x5;
	v6 =	vbroadcast v12, $0x6  }
0x27: {  	v7 =	vbroadcast v12, $0x7;
	v8 =	vbroadcast v12, $0x8  }
0x28: {  	v9 =	vbroadcast v12, $0x9;
	v10 =	vbroadcast v12, $0xA  }
0x29: {  	s21 =	simm.s32 $0x4000;
	s22 =	simm.s32 $0x0;
	s23 =	simm.s32 $0x0;
	v11 =	vbroadcast v12, $0xB;
	v12 =	vbroadcast v12, $0xC  }
.LBB2_2:
0x2a: {  	p0 =	seq.s32 s23, $0x0  }
0x2b: {  	s0 =	simm.s32 @!p0 $0x3  }
0x2c: {  	s2 =	simm.s32 $0x0;
	_ =	swait.ge @!p0 [sflag:s0], $0x13800  }
0x2d: {  	s14 =	smul.u32 $0x600, s2;
	[sflag:s0] =	ssyncset.done @!p0 $0x0  }
0x2e: {  	[sflag:s0] =	ssyncadd.s32 @!p0 $0xFFFEC800  }
0x2f: {  	s14 =	sshra.s32 s14, $0x2;
	_ =	swait.ge @!p0 [sflag:s0], $0x80  }
0x30: {  	s14 =	sadd.s32 s14, s22;
	[sflag:s0] =	ssyncset.done @!p0 $0x0  }
0x31: {  	s25 =	sadd.s32 $0x0, s14;
	[sflag:s0] =	ssyncadd.s32 @!p0 $0xFFFFFF80  }
0x32: {  	v13 =	vld [tilespmem:s25+$0x0];
	_ =	sdelay $0x2  }
0x33: {  	s26 =	smul.u32 $0x9C40, s2;
	_ =	sdelay $0x1  }
0x34: {  	v13 =	vadd.s32 s26, v13  }
0x35: {  	v14 =	vshll.u32 v13, $0x3  }
0x36: {  	v15 =	vand.u32 $0x7F, v13;
	v14 =	vand.u32 $0xFFFFFC00, v14  }
0x37: {  	s14 =	smul.u32 $0x1E00, s2;
	v15 =	vor.u32 v15, v14;
	_ =	sdelay $0x1  }
0x38: {  	s0 =	sshra.s32 s14, $0x2;
	v14 =	vor.u32 $0x80, v15  }
0x39: {  	s15 =	simm.s32 $0x0;
	s25 =	sadd.s32 $0x0, s0  }
0x3a: {  	s0 =	sadd.s32 $0x68E0, s25;
	[tilespmem:s15+$0x4EE0] =	vst v13;
	v13 =	vor.u32 $0x100, v15  }
0x3b: {  	[tilespmem:s0], [sflag:$0x1] =	stream.indirect_vreg.gather [hbm4b:s1+s5], $0x1, v15, vm0, $0xb8;
	[tilespmem:$0x1A160] =	vst v63  }
0x3c: {  	s24 =	sadd.s32 $0x6960, s25;
	v16 =	vor.u32 $0x180, v15  }
0x3d: {  	[tilespmem:s24], [sflag:$0x1] =	stream.indirect_vreg.gather [hbm4b:s1+s5], $0x1, v14, vm0, $0xb8;
	[tilespmem:$0x1A160] =	vst v63  }
0x3e: {  	s26 =	sadd.s32 $0x69E0, s25;
	v14 =	vor.u32 $0x200, v15  }
0x3f: {  	[tilespmem:s26], [sflag:$0x1] =	stream.indirect_vreg.gather [hbm4b:s1+s5], $0x1, v13, vm0, $0xb8;
	[tilespmem:$0x1A160] =	vst v63  }
0x40: {  	s2 =	sadd.s32 $0x6A60, s25;
	v13 =	vor.u32 $0x280, v15  }
0x41: {  	[tilespmem:s2], [sflag:$0x1] =	stream.indirect_vreg.gather [hbm4b:s1+s5], $0x1, v16, vm0, $0xb8;
	[tilespmem:$0x1A160] =	vst v63  }
0x42: {  	s14 =	sadd.s32 $0x6AE0, s25;
	v61 =	vor.u32 $0x300, v15  }
0x43: {  	[tilespmem:s14], [sflag:$0x1] =	stream.indirect_vreg.gather [hbm4b:s1+s5], $0x1, v14, vm0, $0xb8;
	[tilespmem:$0x1A160] =	vst v63  }
0x44: {  	s15 =	sadd.s32 $0x6B60, s25;
	v14 =	vor.u32 $0x380, v15  }
0x45: {  	[tilespmem:s15], [sflag:$0x1] =	stream.indirect_vreg.gather [hbm4b:s1+s5], $0x1, v13, vm0, $0xb8;
	[tilespmem:$0x1A160] =	vst v63  }
0x46: {  	s24 =	sadd.s32 $0x6BE0, s25;
	v13 =	vadd.s32 $0x7EF400, v15  }
0x47: {  	[tilespmem:s24], [sflag:$0x1] =	stream.indirect_vreg.gather [hbm4b:s1+s5], $0x1, v61, vm0, $0xb8;
	[tilespmem:$0x1A160] =	vst v63  }
0x48: {  	v62 =	vadd.s32 $0x7EF480, v15;
	s26 =	sadd.s32 $0x6C60, s25  }
0x49: {  	[tilespmem:s26], [sflag:$0x1] =	stream.indirect_vreg.gather [hbm4b:s1+s5], $0x1, v14, vm0, $0xb8;
	[tilespmem:$0x1A160] =	vst v63  }
0x4a: {  	s2 =	sadd.s32 $0x6CE0, s25;
	v14 =	vadd.s32 $0x7EF500, v15  }
0x4b: {  	[tilespmem:s2], [sflag:$0x1] =	stream.indirect_vreg.gather [hbm4b:s1+s5], $0x1, v13, vm0, $0xb8;
	[tilespmem:$0x1A160] =	vst v63  }
0x4c: {  	s14 =	sadd.s32 $0x6D60, s25;
	v13 =	vadd.s32 $0x7EF580, v15  }
0x4d: {  	[tilespmem:s14], [sflag:$0x1] =	stream.indirect_vreg.gather [hbm4b:s1+s5], $0x1, v62, vm0, $0xb8;
	[tilespmem:$0x1A160] =	vst v63  }
0x4e: {  	v63 =	vadd.s32 $0x7EF600, v15;
	s15 =	sadd.s32 $0x6DE0, s25  }
0x4f: {  	[tilespmem:s15], [sflag:$0x1] =	stream.indirect_vreg.gather [hbm4b:s1+s5], $0x1, v14, vm0, $0xb8;
	[tilespmem:$0x1A160] =	vst v63  }
0x50: {  	s24 =	sadd.s32 $0x6E60, s25;
	v14 =	vadd.s32 $0x7EF680, v15  }
0x51: {  	[tilespmem:s24], [sflag:$0x1] =	stream.indirect_vreg.gather [hbm4b:s1+s5], $0x1, v13, vm0, $0xb8;
	[tilespmem:$0x1A160] =	vst v63  }
0x52: {  	s31 =	simm.s32 $0x0;
	s26 =	sshll.u32 s23, $0x7;
	s14 =	sadd.s32 $0x6EE0, s25  }
0x53: {  	[tilespmem:s14], [sflag:$0x1] =	stream.indirect_vreg.gather [hbm4b:s1+s5], $0x1, v63, vm0, $0xb8;
	[tilespmem:$0x1A160] =	vst v63  }
0x54: {  	s15 =	smul.u32 $0x600, s31;
	s24 =	sadd.s32 s11, s26;
	s26 =	sadd.s32 $0x6F60, s25  }
0x55: {  	[tilespmem:s26], [sflag:$0x1] =	stream.indirect_vreg.gather [hbm4b:s1+s5], $0x1, v14, vm0, $0xb8;
	v14 =	vadd.s32 $0x7EF700, v15;
	[tilespmem:$0x1A160] =	vst v63  }
0x56: {  	s29 =	simm.s32 $0x80;
	s28 =	simm.s32 $0x1;
	s30 =	sadd.s32 $0x6FE0, s25  }
0x57: {  	s2 =	smul.u32 $0x1E00, s31;
	v13 =	vadd.s32 $0x7EF780, v15;
	s14 =	sshra.s32 s15, $0x2;
	s26 =	simm.s32 $0x40  }
.LBB2_3:
0x58: {  	s15 =	sshra.s32 s26, $0x2  }
0x59: {  	s14 =	sadd.s32 s14, s22;
	s26 =	smov.u32 s29;
	s0 =	sadd.s32 $0x40, s29  }
0x5a: {  	[tilespmem:s30], [sflag:$0x1] =	stream.indirect_vreg.gather [hbm4b:s1+s5], $0x1, v14, vm0, $0xb8;
	[tilespmem:$0x1A160] =	vst v63  }
0x5b: {  	p0 =	sne.s32 s29, $0x33C0;
	s25 =	sadd.s32 $0x7060, s25;
	s14 =	sadd.s32 s15, s14  }
0x5c: {  	[tilespmem:s25], [sflag:$0x1] =	stream.indirect_vreg.gather [hbm4b:s1+s5], $0x1, v13, vm0, $0xb8;
	[tilespmem:$0x1A160] =	vst v63  }
0x5d: {  	v13 =	vld [tilespmem:s14+$0x0];
	_ =	sdelay $0x2  }
0x5e: {  	s14 =	smul.u32 $0x9C40, s31;
	_ =	sdelay $0x1  }
0x5f: {  	v13 =	vadd.s32 s14, v13  }
0x60: {  	v14 =	vshll.u32 v13, $0x3;
	v15 =	vand.u32 $0x7F, v13  }
0x61: {  	v14 =	vand.u32 $0xFFFFFC00, v14  }
0x62: {  	v15 =	vor.u32 v15, v14  }
0x63: {  	v14 =	vor.u32 $0x80, v15  }
0x64: {  	s2 =	sshra.s32 s2, $0x2  }
0x65: {  	s25 =	sadd.s32 s15, s2  }
0x66: {  	s2 =	sadd.s32 $0x68E0, s25;
	s30 =	sadd.s32 $0x6FE0, s25;
	[tilespmem:s15+$0x4EE0] =	vst v13;
	v13 =	vor.u32 $0x100, v15  }
0x67: {  	[tilespmem:s2], [sflag:$0x1] =	stream.indirect_vreg.gather [hbm4b:s1+s5], $0x1, v15, vm0, $0xb8;
	[tilespmem:$0x1A160] =	vst v63  }
0x68: {  	v16 =	vor.u32 $0x180, v15;
	s2 =	sadd.s32 $0x6960, s25  }
0x69: {  	[tilespmem:s2], [sflag:$0x1] =	stream.indirect_vreg.gather [hbm4b:s1+s5], $0x1, v14, vm0, $0xb8;
	[tilespmem:$0x1A160] =	vst v63  }
0x6a: {  	s2 =	sadd.s32 $0x69E0, s25;
	v14 =	vor.u32 $0x200, v15  }
0x6b: {  	[tilespmem:s2], [sflag:$0x1] =	stream.indirect_vreg.gather [hbm4b:s1+s5], $0x1, v13, vm0, $0xb8;
	[tilespmem:$0x1A160] =	vst v63  }
0x6c: {  	s2 =	sadd.s32 $0x6A60, s25;
	v13 =	vor.u32 $0x280, v15  }
0x6d: {  	[tilespmem:s2], [sflag:$0x1] =	stream.indirect_vreg.gather [hbm4b:s1+s5], $0x1, v16, vm0, $0xb8;
	[tilespmem:$0x1A160] =	vst v63  }
0x6e: {  	s2 =	sadd.s32 $0x6AE0, s25;
	v16 =	vor.u32 $0x300, v15  }
0x6f: {  	[tilespmem:s2], [sflag:$0x1] =	stream.indirect_vreg.gather [hbm4b:s1+s5], $0x1, v14, vm0, $0xb8;
	[tilespmem:$0x1A160] =	vst v63  }
0x70: {  	s2 =	sadd.s32 $0x6B60, s25;
	v14 =	vor.u32 $0x380, v15  }
0x71: {  	[tilespmem:s2], [sflag:$0x1] =	stream.indirect_vreg.gather [hbm4b:s1+s5], $0x1, v13, vm0, $0xb8;
	[tilespmem:$0x1A160] =	vst v63  }
0x72: {  	s2 =	sadd.s32 $0x6BE0, s25;
	v13 =	vadd.s32 $0x7EF400, v15  }
0x73: {  	[tilespmem:s2], [sflag:$0x1] =	stream.indirect_vreg.gather [hbm4b:s1+s5], $0x1, v16, vm0, $0xb8;
	[tilespmem:$0x1A160] =	vst v63  }
0x74: {  	s2 =	sadd.s32 $0x6C60, s25;
	v16 =	vadd.s32 $0x7EF480, v15  }
0x75: {  	[tilespmem:s2], [sflag:$0x1] =	stream.indirect_vreg.gather [hbm4b:s1+s5], $0x1, v14, vm0, $0xb8;
	[tilespmem:$0x1A160] =	vst v63  }
0x76: {  	s2 =	sadd.s32 $0x6CE0, s25;
	v14 =	vadd.s32 $0x7EF500, v15  }
0x77: {  	[tilespmem:s2], [sflag:$0x1] =	stream.indirect_vreg.gather [hbm4b:s1+s5], $0x1, v13, vm0, $0xb8;
	[tilespmem:$0x1A160] =	vst v63  }
0x78: {  	s2 =	sadd.s32 $0x6D60, s25;
	v13 =	vadd.s32 $0x7EF580, v15  }
0x79: {  	[tilespmem:s2], [sflag:$0x1] =	stream.indirect_vreg.gather [hbm4b:s1+s5], $0x1, v16, vm0, $0xb8;
	[tilespmem:$0x1A160] =	vst v63  }
0x7a: {  	s2 =	sadd.s32 $0x6DE0, s25;
	v16 =	vadd.s32 $0x7EF600, v15  }
0x7b: {  	[tilespmem:s2], [sflag:$0x1] =	stream.indirect_vreg.gather [hbm4b:s1+s5], $0x1, v14, vm0, $0xb8;
	[tilespmem:$0x1A160] =	vst v63  }
0x7c: {  	s28 =	sadd.s32 $0x1, s28;
	v17 =	vadd.s32 $0x7EF680, v15;
	s2 =	sadd.s32 $0x6E60, s25  }
0x7d: {  	[tilespmem:s2], [sflag:$0x1] =	stream.indirect_vreg.gather [hbm4b:s1+s5], $0x1, v13, vm0, $0xb8;
	[tilespmem:$0x1A160] =	vst v63  }
.Ltmp0:
0x7e: {  	s31 =	sshrl.u32 s28, $0x3;
	v14 =	vadd.s32 $0x7EF700, v15;
	s2 =	sadd.s32 $0x6EE0, s25;
	(pc) =	sbr.rel @p0 .LBB2_3-.Ltmp0, $4  }
0x7f: {  	s29 =	smov.u32 s0;
	s14 =	smul.u32 $0x600, s31  }
0x80: {  	v13 =	vadd.s32 $0x7EF780, v15;
	[tilespmem:s2], [sflag:$0x1] =	stream.indirect_vreg.gather [hbm4b:s1+s5], $0x1, v16, vm0, $0xb8;
	[tilespmem:$0x1A160] =	vst v63  }
0x81: {  	s14 =	sshra.s32 s14, $0x2;
	s15 =	sadd.s32 $0x6F60, s25;
	s2 =	smul.u32 $0x1E00, s31  }
0x82: {  	[tilespmem:s15], [sflag:$0x1] =	stream.indirect_vreg.gather [hbm4b:s1+s5], $0x1, v17, vm0, $0xb8;
	[tilespmem:$0x1A160] =	vst v63  }
0x83: {  	_ =	sdelay $0x3  }
0x84: {  	[tilespmem:s30], [sflag:$0x1] =	stream.indirect_vreg.gather [hbm4b:s1+s5], $0x1, v14, vm0, $0xb8;
	[tilespmem:$0x1A160] =	vst v63  }
0x85: {  	s0 =	sshra.s32 s26, $0x2;
	s14 =	sadd.s32 s14, s22  }
0x86: {  	s15 =	sadd.s32 $0x7060, s25;
	s14 =	sadd.s32 s0, s14  }
0x87: {  	[tilespmem:s15], [sflag:$0x1] =	stream.indirect_vreg.gather [hbm4b:s1+s5], $0x1, v13, vm0, $0xb8;
	[tilespmem:$0x1A160] =	vst v63  }
0x88: {  	v13 =	vld [tilespmem:s14+$0x0];
	_ =	sdelay $0x2  }
0x89: {  	s26 =	smul.u32 $0x9C40, s31;
	_ =	sdelay $0x1  }
0x8a: {  	v13 =	vadd.s32 s26, v13  }
0x8b: {  	v14 =	vshll.u32 v13, $0x3  }
0x8c: {  	v15 =	vand.u32 $0x7F, v13;
	v14 =	vand.u32 $0xFFFFFC00, v14  }
0x8d: {  	v14 =	vor.u32 v15, v14;
	_ =	sdelay $0x1  }
0x8e: {  	s2 =	sshra.s32 s2, $0x2;
	v15 =	vor.u32 $0x80, v14  }
0x8f: {  	s2 =	sadd.s32 s0, s2  }
0x90: {  	s30 =	sadd.s32 $0x68E0, s2;
	[tilespmem:s0+$0x4EE0] =	vst v13;
	v13 =	vor.u32 $0x100, v14  }
0x91: {  	[tilespmem:s30], [sflag:$0x1] =	stream.indirect_vreg.gather [hbm4b:s1+s5], $0x1, v14, vm0, $0xb8;
	[tilespmem:$0x1A160] =	vst v63  }
0x92: {  	s31 =	sadd.s32 $0x6960, s2;
	v16 =	vor.u32 $0x180, v14  }
0x93: {  	[tilespmem:s31], [sflag:$0x1] =	stream.indirect_vreg.gather [hbm4b:s1+s5], $0x1, v15, vm0, $0xb8;
	[tilespmem:$0x1A160] =	vst v63  }
0x94: {  	s14 =	sadd.s32 $0x69E0, s2;
	v15 =	vor.u32 $0x200, v14  }
0x95: {  	[tilespmem:s14], [sflag:$0x1] =	stream.indirect_vreg.gather [hbm4b:s1+s5], $0x1, v13, vm0, $0xb8;
	[tilespmem:$0x1A160] =	vst v63  }
0x96: {  	s15 =	sadd.s32 $0x6A60, s2;
	v13 =	vor.u32 $0x280, v14  }
0x97: {  	[tilespmem:s15], [sflag:$0x1] =	stream.indirect_vreg.gather [hbm4b:s1+s5], $0x1, v16, vm0, $0xb8;
	[tilespmem:$0x1A160] =	vst v63  }
0x98: {  	s25 =	sadd.s32 $0x6AE0, s2;
	v16 =	vor.u32 $0x300, v14  }
0x99: {  	[tilespmem:s25], [sflag:$0x1] =	stream.indirect_vreg.gather [hbm4b:s1+s5], $0x1, v15, vm0, $0xb8;
	[tilespmem:$0x1A160] =	vst v63  }
0x9a: {  	s26 =	sadd.s32 $0x6B60, s2;
	v15 =	vor.u32 $0x380, v14  }
0x9b: {  	[tilespmem:s26], [sflag:$0x1] =	stream.indirect_vreg.gather [hbm4b:s1+s5], $0x1, v13, vm0, $0xb8;
	[tilespmem:$0x1A160] =	vst v63  }
0x9c: {  	s30 =	sadd.s32 $0x6BE0, s2;
	v13 =	vadd.s32 $0x7EF400, v14  }
0x9d: {  	[tilespmem:s30], [sflag:$0x1] =	stream.indirect_vreg.gather [hbm4b:s1+s5], $0x1, v16, vm0, $0xb8;
	[tilespmem:$0x1A160] =	vst v63  }
0x9e: {  	s31 =	sadd.s32 $0x6C60, s2;
	v16 =	vadd.s32 $0x7EF480, v14  }
0x9f: {  	[tilespmem:s31], [sflag:$0x1] =	stream.indirect_vreg.gather [hbm4b:s1+s5], $0x1, v15, vm0, $0xb8;
	[tilespmem:$0x1A160] =	vst v63  }
0xa0: {  	s14 =	sadd.s32 $0x6CE0, s2;
	v15 =	vadd.s32 $0x7EF500, v14  }
0xa1: {  	[tilespmem:s14], [sflag:$0x1] =	stream.indirect_vreg.gather [hbm4b:s1+s5], $0x1, v13, vm0, $0xb8;
	[tilespmem:$0x1A160] =	vst v63  }
0xa2: {  	s15 =	sadd.s32 $0x6D60, s2;
	v13 =	vadd.s32 $0x7EF580, v14  }
0xa3: {  	[tilespmem:s15], [sflag:$0x1] =	stream.indirect_vreg.gather [hbm4b:s1+s5], $0x1, v16, vm0, $0xb8;
	[tilespmem:$0x1A160] =	vst v63  }
0xa4: {  	s25 =	sadd.s32 $0x6DE0, s2;
	v16 =	vadd.s32 $0x7EF600, v14  }
0xa5: {  	[tilespmem:s25], [sflag:$0x1] =	stream.indirect_vreg.gather [hbm4b:s1+s5], $0x1, v15, vm0, $0xb8;
	[tilespmem:$0x1A160] =	vst v63  }
0xa6: {  	s26 =	sadd.s32 $0x6E60, s2;
	v15 =	vadd.s32 $0x7EF680, v14  }
0xa7: {  	[tilespmem:s26], [sflag:$0x1] =	stream.indirect_vreg.gather [hbm4b:s1+s5], $0x1, v13, vm0, $0xb8;
	[tilespmem:$0x1A160] =	vst v63  }
0xa8: {  	s30 =	sadd.s32 $0x6EE0, s2;
	v13 =	vadd.s32 $0x7EF700, v14  }
0xa9: {  	[tilespmem:s30], [sflag:$0x1] =	stream.indirect_vreg.gather [hbm4b:s1+s5], $0x1, v16, vm0, $0xb8;
	[tilespmem:$0x1A160] =	vst v63  }
0xaa: {  	s31 =	sadd.s32 $0x6F60, s2;
	v14 =	vadd.s32 $0x7EF780, v14  }
0xab: {  	[tilespmem:s31], [sflag:$0x1] =	stream.indirect_vreg.gather [hbm4b:s1+s5], $0x1, v15, vm0, $0xb8;
	[tilespmem:$0x1A160] =	vst v63  }
0xac: {  	s14 =	sadd.s32 $0x6FE0, s2  }
0xad: {  	[tilespmem:s14], [sflag:$0x1] =	stream.indirect_vreg.gather [hbm4b:s1+s5], $0x1, v13, vm0, $0xb8;
	[tilespmem:$0x1A160] =	vst v63  }
0xae: {  	s15 =	sadd.s32 $0x7060, s2  }
0xaf: {  	[tilespmem:s15], [sflag:$0x1] =	stream.indirect_vreg.gather [hbm4b:s1+s5], $0x1, v14, vm0, $0xb8;
	[tilespmem:$0x1A160] =	vst v63  }
0xb0: {  	s25 =	simm.s32 $0x4EE0;
	s26 =	simm.s32 $0x5BE0  }
0xb1: {  	[tilespmem:s26], [sflag:$0x2] =	stream.indirect.gather [hbm4b:s6+s16], $0x1, s25, s16, $0xb8;
	[tilespmem:$0x1A160] =	vst v63  }
0xb2: {  	s30 =	simm.s32 $0x4F60;
	s31 =	simm.s32 $0x5C60  }
0xb3: {  	[tilespmem:s31], [sflag:$0x2] =	stream.indirect.gather [hbm4b:s6+s16], $0x1, s30, s16, $0xb8;
	[tilespmem:$0x1A160] =	vst v63  }
0xb4: {  	s14 =	simm.s32 $0x4FE0;
	s15 =	simm.s32 $0x5CE0  }
0xb5: {  	[tilespmem:s15], [sflag:$0x2] =	stream.indirect.gather [hbm4b:s6+s16], $0x1, s14, s16, $0xb8;
	[tilespmem:$0x1A160] =	vst v63  }
0xb6: {  	s25 =	simm.s32 $0x5060;
	s26 =	simm.s32 $0x5D60  }
0xb7: {  	[tilespmem:s26], [sflag:$0x2] =	stream.indirect.gather [hbm4b:s6+s16], $0x1, s25, s16, $0xb8;
	[tilespmem:$0x1A160] =	vst v63  }
0xb8: {  	s30 =	simm.s32 $0x50E0;
	s31 =	simm.s32 $0x5DE0  }
0xb9: {  	[tilespmem:s31], [sflag:$0x2] =	stream.indirect.gather [hbm4b:s6+s16], $0x1, s30, s16, $0xb8;
	[tilespmem:$0x1A160] =	vst v63  }
0xba: {  	s14 =	simm.s32 $0x5160;
	s15 =	simm.s32 $0x5E60  }
0xbb: {  	[tilespmem:s15], [sflag:$0x2] =	stream.indirect.gather [hbm4b:s6+s16], $0x1, s14, s16, $0xb8;
	[tilespmem:$0x1A160] =	vst v63  }
0xbc: {  	s25 =	simm.s32 $0x51E0;
	s26 =	simm.s32 $0x5EE0  }
0xbd: {  	[tilespmem:s26], [sflag:$0x2] =	stream.indirect.gather [hbm4b:s6+s16], $0x1, s25, s16, $0xb8;
	[tilespmem:$0x1A160] =	vst v63  }
0xbe: {  	s30 =	simm.s32 $0x5260;
	s31 =	simm.s32 $0x5F60  }
0xbf: {  	[tilespmem:s31], [sflag:$0x2] =	stream.indirect.gather [hbm4b:s6+s16], $0x1, s30, s16, $0xb8;
	[tilespmem:$0x1A160] =	vst v63  }
0xc0: {  	s14 =	simm.s32 $0x52E0;
	s15 =	simm.s32 $0x5FE0  }
0xc1: {  	[tilespmem:s15], [sflag:$0x2] =	stream.indirect.gather [hbm4b:s6+s16], $0x1, s14, s16, $0xb8;
	[tilespmem:$0x1A160] =	vst v63  }
0xc2: {  	s25 =	simm.s32 $0x5360;
	s26 =	simm.s32 $0x6060  }
0xc3: {  	[tilespmem:s26], [sflag:$0x2] =	stream.indirect.gather [hbm4b:s6+s16], $0x1, s25, s16, $0xb8;
	[tilespmem:$0x1A160] =	vst v63  }
0xc4: {  	s30 =	simm.s32 $0x53E0;
	s31 =	simm.s32 $0x60E0  }
0xc5: {  	[tilespmem:s31], [sflag:$0x2] =	stream.indirect.gather [hbm4b:s6+s16], $0x1, s30, s16, $0xb8;
	[tilespmem:$0x1A160] =	vst v63  }
0xc6: {  	s14 =	simm.s32 $0x5460;
	s15 =	simm.s32 $0x6160  }
0xc7: {  	[tilespmem:s15], [sflag:$0x2] =	stream.indirect.gather [hbm4b:s6+s16], $0x1, s14, s16, $0xb8;
	[tilespmem:$0x1A160] =	vst v63  }
0xc8: {  	s25 =	simm.s32 $0x54E0;
	s26 =	simm.s32 $0x61E0  }
0xc9: {  	[tilespmem:s26], [sflag:$0x2] =	stream.indirect.gather [hbm4b:s6+s16], $0x1, s25, s16, $0xb8;
	[tilespmem:$0x1A160] =	vst v63  }
0xca: {  	s30 =	simm.s32 $0x5560;
	s31 =	simm.s32 $0x6260  }
0xcb: {  	[tilespmem:s31], [sflag:$0x2] =	stream.indirect.gather [hbm4b:s6+s16], $0x1, s30, s16, $0xb8;
	[tilespmem:$0x1A160] =	vst v63  }
0xcc: {  	s14 =	simm.s32 $0x55E0;
	s15 =	simm.s32 $0x62E0  }
0xcd: {  	[tilespmem:s15], [sflag:$0x2] =	stream.indirect.gather [hbm4b:s6+s16], $0x1, s14, s16, $0xb8;
	[tilespmem:$0x1A160] =	vst v63  }
0xce: {  	s25 =	simm.s32 $0x5660;
	s26 =	simm.s32 $0x6360  }
0xcf: {  	[tilespmem:s26], [sflag:$0x2] =	stream.indirect.gather [hbm4b:s6+s16], $0x1, s25, s16, $0xb8;
	[tilespmem:$0x1A160] =	vst v63  }
0xd0: {  	s30 =	simm.s32 $0x56E0;
	s31 =	simm.s32 $0x63E0  }
0xd1: {  	[tilespmem:s31], [sflag:$0x2] =	stream.indirect.gather [hbm4b:s6+s16], $0x1, s30, s16, $0xb8;
	[tilespmem:$0x1A160] =	vst v63  }
0xd2: {  	s14 =	simm.s32 $0x5760;
	s15 =	simm.s32 $0x6460  }
0xd3: {  	[tilespmem:s15], [sflag:$0x2] =	stream.indirect.gather [hbm4b:s6+s16], $0x1, s14, s16, $0xb8;
	[tilespmem:$0x1A160] =	vst v63  }
0xd4: {  	s25 =	simm.s32 $0x57E0;
	s26 =	simm.s32 $0x64E0  }
0xd5: {  	[tilespmem:s26], [sflag:$0x2] =	stream.indirect.gather [hbm4b:s6+s16], $0x1, s25, s16, $0xb8;
	[tilespmem:$0x1A160] =	vst v63  }
0xd6: {  	s30 =	simm.s32 $0x5860;
	s31 =	simm.s32 $0x6560  }
0xd7: {  	[tilespmem:s31], [sflag:$0x2] =	stream.indirect.gather [hbm4b:s6+s16], $0x1, s30, s16, $0xb8;
	[tilespmem:$0x1A160] =	vst v63  }
0xd8: {  	s2 =	simm.s32 $0x58E0;
	s14 =	simm.s32 $0x65E0  }
0xd9: {  	[tilespmem:s14], [sflag:$0x2] =	stream.indirect.gather [hbm4b:s6+s16], $0x1, s2, s16, $0xb8;
	[tilespmem:$0x1A160] =	vst v63  }
0xda: {  	s15 =	simm.s32 $0x5960;
	s25 =	simm.s32 $0x6660  }
0xdb: {  	[tilespmem:s25], [sflag:$0x2] =	stream.indirect.gather [hbm4b:s6+s16], $0x1, s15, s16, $0xb8;
	[tilespmem:$0x1A160] =	vst v63  }
0xdc: {  	_ = 	snop  }
0xdd: {  	[tilespmem:s8], [sflag:$0x2] =	stream.indirect.gather [hbm4b:s6+s16], $0x1, s7, s16, $0xb8;
	[tilespmem:$0x1A160] =	vst v63  }
0xde: {  	s26 =	simm.s32 $0x0  }
0xdf: {  	[tilespmem:s10], [sflag:$0x2] =	stream.indirect.gather [hbm4b:s6+s16], $0x1, s9, s16, $0xb8;
	[tilespmem:$0x1A160] =	vst v63  }
0xe0: {  	s30 =	smul.u32 $0x600, s26;
	s31 =	simm.s32 $0x0  }
0xe1: {  	[tilespmem:s13], [sflag:$0x2] =	stream.indirect.gather [hbm4b:s6+s16], $0x1, s12, s16, $0xb8;
	[tilespmem:$0x1A160] =	vst v63  }
0xe2: {  	s2 =	sshra.s32 s30, $0x2;
	s14 =	sand.u32 $0x3FFFFFF0, s31  }
0xe3: {  	[tilespmem:s4], [sflag:$0x2] =	stream.indirect.gather [hbm4b:s6+s16], $0x1, s3, s16, $0xb8;
	[tilespmem:$0x1A160] =	vst v63  }
0xe4: {  	s2 =	sadd.s32 s2, s20;
	v13 =	vld [tilespmem:s14+$0x4E00]  }
0xe5: {  	s2 =	sadd.s32 $0x0, s2  }
0xe6: {  	v16 =	vld [tilespmem:s2+$0x0];
	_ =	sdelay $0x1  }
0xe7: {  	s0 =	smul.u32 $0x1E00, s26  }
0xe8: {  	v14 =	vbroadcast v13, $0x1  }
0xe9: {  	s0 =	sshra.s32 s0, $0x2;
	v15 =	vbroadcast v13, $0x0;
	v17 =	vbroadcast v13, $0x2  }
0xea: {  	s0 =	sadd.s32 $0x0, s0;
	v18 =	vbroadcast v13, $0x3;
	v14 =	vmul.f32 v14, v16  }
0xeb: {  	s25 =	sadd.s32 $0x68E0, s0;
	v19 =	vbroadcast v13, $0x5;
	v15 =	vmul.f32 v15, v16  }
0xec: {  	v17 =	vmul.f32 v17, v16;
	[tilespmem:s25+$0xD080] =	vst v14;
	v14 =	vbroadcast v13, $0x4  }
0xed: {  	v20 =	vbroadcast v13, $0x7;
	v18 =	vmul.f32 v18, v16;
	[tilespmem:s25+$0xD000] =	vst v15  }
0xee: {  	v60 =	vbroadcast v13, $0x9;
	[tilespmem:s25+$0xD100] =	vst v17;
	v14 =	vmul.f32 v14, v16  }
0xef: {  	v59 =	vmul.f32 v20, v16;
	v15 =	vbroadcast v13, $0x6;
	[tilespmem:s25+$0xD180] =	vst v18  }
0xf0: {  	v17 =	vmul.f32 v19, v16;
	[tilespmem:s25+$0xD200] =	vst v14;
	v14 =	vbroadcast v13, $0x8  }
0xf1: {  	v61 =	vbroadcast v13, $0xB;
	[tilespmem:s25+$0xD380] =	vst v59;
	v15 =	vmul.f32 v15, v16  }
0xf2: {  	[tilespmem:s25+$0xD280] =	vst v17;
	v17 =	vbroadcast v13, $0xA;
	v14 =	vmul.f32 v14, v16  }
0xf3: {  	v63 =	vbroadcast v13, $0xD;
	[tilespmem:s25+$0xD300] =	vst v15;
	v15 =	vmul.f32 v60, v16  }
0xf4: {  	v17 =	vmul.f32 v17, v16;
	[tilespmem:s25+$0xD400] =	vst v14;
	v14 =	vbroadcast v13, $0xC  }
0xf5: {  	v62 =	vmul.f32 v61, v16;
	[tilespmem:s25+$0xD480] =	vst v15;
	v15 =	vbroadcast v13, $0xE  }
0xf6: {  	[tilespmem:s25+$0xD500] =	vst v17;
	v13 =	vbroadcast v13, $0xF;
	v17 =	vmul.f32 v14, v16  }
0xf7: {  	s28 =	simm.s32 $0x1;
	[tilespmem:s25+$0xD580] =	vst v62;
	v14 =	vmul.f32 v63, v16  }
0xf8: {  	s29 =	simm.s32 $0x80;
	s26 =	simm.s32 $0x40;
	s2 =	simm.s32 $0x0;
	v15 =	vmul.f32 v15, v16;
	v13 =	vmul.f32 v13, v16;
	[tilespmem:s25+$0xD600] =	vst v17  }
.LBB2_5:
0xf9: {  	p0 =	sne.s32 s29, $0x19C0;
	s0 =	smul.u32 $0x600, s2;
	[tilespmem:s25+$0xD680] =	vst v14  }
0xfa: {  	s14 =	sshll.u32 s28, $0x1;
	[tilespmem:s25+$0xD700] =	vst v15  }
0xfb: {  	s14 =	sand.u32 $0x3FFFFFF0, s14;
	s0 =	sshra.s32 s0, $0x2;
	[tilespmem:s25+$0xD780] =	vst v13  }
0xfc: {  	s15 =	sshra.s32 s26, $0x2;
	s26 =	smov.u32 s29;
	s0 =	sadd.s32 s0, s20;
	v13 =	vld [tilespmem:s14+$0x4E00]  }
0xfd: {  	s0 =	sadd.s32 s15, s0  }
0xfe: {  	v16 =	vld [tilespmem:s0+$0x0];
	_ =	sdelay $0x1  }
0xff: {  	s0 =	smul.u32 $0x1E00, s2  }
0x100: {  	v14 =	vbroadcast v13, $0x0;
	v15 =	vbroadcast v13, $0x1  }
0x101: {  	s0 =	sshra.s32 s0, $0x2;
	v17 =	vbroadcast v13, $0x2;
	v18 =	vbroadcast v13, $0x3  }
0x102: {  	s0 =	sadd.s32 s15, s0;
	v14 =	vmul.f32 v14, v16;
	v15 =	vmul.f32 v15, v16  }
0x103: {  	s25 =	sadd.s32 $0x68E0, s0;
	v17 =	vmul.f32 v17, v16;
	v18 =	vmul.f32 v18, v16  }
0x104: {  	v19 =	vbroadcast v13, $0x5;
	[tilespmem:s25+$0xD080] =	vst v15;
	v15 =	vbroadcast v13, $0x4  }
0x105: {  	v20 =	vbroadcast v13, $0x7;
	[tilespmem:s25+$0xD000] =	vst v14;
	v14 =	vbroadcast v13, $0x6  }
0x106: {  	[tilespmem:s25+$0xD100] =	vst v17;
	v15 =	vmul.f32 v15, v16;
	v17 =	vmul.f32 v19, v16  }
0x107: {  	[tilespmem:s25+$0xD180] =	vst v18;
	v14 =	vmul.f32 v14, v16;
	v18 =	vmul.f32 v20, v16  }
0x108: {  	v19 =	vbroadcast v13, $0x9;
	[tilespmem:s25+$0xD200] =	vst v15;
	v15 =	vbroadcast v13, $0x8  }
0x109: {  	v20 =	vbroadcast v13, $0xB;
	[tilespmem:s25+$0xD280] =	vst v17;
	v17 =	vbroadcast v13, $0xA  }
0x10a: {  	[tilespmem:s25+$0xD300] =	vst v14;
	v14 =	vmul.f32 v15, v16;
	v15 =	vmul.f32 v19, v16  }
0x10b: {  	[tilespmem:s25+$0xD380] =	vst v18;
	v17 =	vmul.f32 v17, v16;
	v18 =	vmul.f32 v20, v16  }
.Ltmp1:
0x10c: {  	v19 =	vbroadcast v13, $0xD;
	[tilespmem:s25+$0xD400] =	vst v14;
	v14 =	vbroadcast v13, $0xC;
	(pc) =	sbr.rel @p0 .LBB2_5-.Ltmp1, $4  }
0x10d: {  	[tilespmem:s25+$0xD480] =	vst v15;
	v15 =	vbroadcast v13, $0xE;
	v13 =	vbroadcast v13, $0xF  }
0x10e: {  	[tilespmem:s25+$0xD500] =	vst v17;
	v17 =	vmul.f32 v14, v16;
	v14 =	vmul.f32 v19, v16  }
0x10f: {  	s28 =	sadd.s32 $0x1, s28;
	[tilespmem:s25+$0xD580] =	vst v18;
	v15 =	vmul.f32 v15, v16;
	v13 =	vmul.f32 v13, v16  }
0x110: {  	s29 =	sadd.s32 $0x40, s29;
	s2 =	sshrl.u32 s28, $0x3;
	[tilespmem:s25+$0xD600] =	vst v17  }
0x111: {  	s0 =	smul.u32 $0x600, s2;
	[tilespmem:s25+$0xD680] =	vst v14  }
0x112: {  	s14 =	sshll.u32 s28, $0x1;
	[tilespmem:s25+$0xD700] =	vst v15  }
0x113: {  	[tilespmem:s25+$0xD780] =	vst v13;
	s14 =	sand.u32 $0x3FFFFFF0, s14;
	s0 =	sshra.s32 s0, $0x2  }
0x114: {  	s15 =	sshra.s32 s26, $0x2;
	v13 =	vld [tilespmem:s14+$0x4E00];
	s0 =	sadd.s32 s0, s20  }
0x115: {  	s0 =	sadd.s32 s15, s0  }
0x116: {  	v14 =	vld [tilespmem:s0+$0x0];
	_ =	sdelay $0x1  }
0x117: {  	s31 =	smul.u32 $0x1E00, s2  }
0x118: {  	v15 =	vbroadcast v13, $0x1  }
0x119: {  	s0 =	sshra.s32 s31, $0x2;
	v16 =	vbroadcast v13, $0x0  }
0x11a: {  	s0 =	sadd.s32 s15, s0;
	v17 =	vbroadcast v13, $0x2;
	v15 =	vmul.f32 v15, v14  }
0x11b: {  	v18 =	vbroadcast v13, $0x3;
	s0 =	sadd.s32 $0x68E0, s0;
	v16 =	vmul.f32 v16, v14  }
0x11c: {  	v19 =	vbroadcast v13, $0x5;
	v17 =	vmul.f32 v17, v14;
	[tilespmem:s0+$0xD080] =	vst v15  }
0x11d: {  	v18 =	vmul.f32 v18, v14;
	v15 =	vbroadcast v13, $0x4;
	[tilespmem:s0+$0xD000] =	vst v16  }
0x11e: {  	v19 =	vmul.f32 v19, v14;
	v16 =	vbroadcast v13, $0x6;
	[tilespmem:s0+$0xD100] =	vst v17  }
0x11f: {  	v17 =	vbroadcast v13, $0x7;
	[tilespmem:s0+$0xD180] =	vst v18;
	v15 =	vmul.f32 v15, v14  }
0x120: {  	v18 =	vbroadcast v13, $0x9;
	[tilespmem:s0+$0xD280] =	vst v19;
	v16 =	vmul.f32 v16, v14  }
0x121: {  	v19 =	vbroadcast v13, $0xA;
	v17 =	vmul.f32 v17, v14;
	[tilespmem:s0+$0xD200] =	vst v15  }
0x122: {  	v18 =	vmul.f32 v18, v14;
	v15 =	vbroadcast v13, $0x8;
	[tilespmem:s0+$0xD300] =	vst v16  }
0x123: {  	v16 =	vbroadcast v13, $0xB;
	[tilespmem:s0+$0xD380] =	vst v17;
	v17 =	vmul.f32 v19, v14  }
0x124: {  	v19 =	vbroadcast v13, $0xD;
	[tilespmem:s0+$0xD480] =	vst v18;
	v15 =	vmul.f32 v15, v14  }
0x125: {  	v18 =	vbroadcast v13, $0xE;
	v16 =	vmul.f32 v16, v14;
	[tilespmem:s0+$0xD500] =	vst v17  }
0x126: {  	v17 =	vmul.f32 v19, v14;
	[tilespmem:s0+$0xD400] =	vst v15;
	v15 =	vbroadcast v13, $0xC  }
0x127: {  	v13 =	vbroadcast v13, $0xF;
	[tilespmem:s0+$0xD580] =	vst v16;
	v16 =	vmul.f32 v18, v14  }
0x128: {  	[tilespmem:s0+$0xD680] =	vst v17;
	v15 =	vmul.f32 v15, v14  }
0x129: {  	v13 =	vmul.f32 v13, v14;
	[tilespmem:s0+$0xD700] =	vst v16  }
0x12a: {  	[tilespmem:s0+$0xD600] =	vst v15  }
0x12b: {  	[tilespmem:s0+$0xD780] =	vst v13  }
0x12c: {  	_ =	swait.ge [sflag:s17], $0x80  }
0x12d: {  	[sflag:s17] =	ssyncset.done $0x0  }
0x12e: {  	[sflag:s17] =	ssyncadd.s32 $0xFFFFFF80  }
0x12f: {  	_ =	swait.ge [sflag:s17], $0x80  }
0x130: {  	[sflag:s17] =	ssyncset.done $0x0  }
0x131: {  	[sflag:s17] =	ssyncadd.s32 $0xFFFFFF80  }
0x132: {  	_ =	swait.ge [sflag:s17], $0x80  }
0x133: {  	[sflag:s17] =	ssyncset.done $0x0  }
0x134: {  	[sflag:s17] =	ssyncadd.s32 $0xFFFFFF80  }
0x135: {  	_ =	swait.ge [sflag:s17], $0x80  }
0x136: {  	[sflag:s17] =	ssyncset.done $0x0  }
0x137: {  	[sflag:s17] =	ssyncadd.s32 $0xFFFFFF80  }
0x138: {  	_ =	swait.ge [sflag:s17], $0x80  }
0x139: {  	[sflag:s17] =	ssyncset.done $0x0  }
0x13a: {  	[sflag:s17] =	ssyncadd.s32 $0xFFFFFF80  }
0x13b: {  	_ =	swait.ge [sflag:s17], $0x80  }
0x13c: {  	[sflag:s17] =	ssyncset.done $0x0  }
0x13d: {  	[sflag:s17] =	ssyncadd.s32 $0xFFFFFF80  }
0x13e: {  	_ =	swait.ge [sflag:s17], $0x80  }
0x13f: {  	[sflag:s17] =	ssyncset.done $0x0  }
0x140: {  	[sflag:s17] =	ssyncadd.s32 $0xFFFFFF80  }
0x141: {  	_ =	swait.ge [sflag:s17], $0x80  }
0x142: {  	[sflag:s17] =	ssyncset.done $0x0  }
0x143: {  	[sflag:s17] =	ssyncadd.s32 $0xFFFFFF80  }
0x144: {  	_ =	swait.ge [sflag:s17], $0x80  }
0x145: {  	[sflag:s17] =	ssyncset.done $0x0  }
0x146: {  	[sflag:s17] =	ssyncadd.s32 $0xFFFFFF80  }
0x147: {  	_ =	swait.ge [sflag:s17], $0x80  }
0x148: {  	[sflag:s17] =	ssyncset.done $0x0  }
0x149: {  	[sflag:s17] =	ssyncadd.s32 $0xFFFFFF80  }
0x14a: {  	_ =	swait.ge [sflag:s17], $0x80  }
0x14b: {  	[sflag:s17] =	ssyncset.done $0x0  }
0x14c: {  	[sflag:s17] =	ssyncadd.s32 $0xFFFFFF80  }
0x14d: {  	_ =	swait.ge [sflag:s17], $0x80  }
0x14e: {  	[sflag:s17] =	ssyncset.done $0x0  }
0x14f: {  	[sflag:s17] =	ssyncadd.s32 $0xFFFFFF80  }
0x150: {  	_ =	swait.ge [sflag:s17], $0x80  }
0x151: {  	[sflag:s17] =	ssyncset.done $0x0  }
0x152: {  	[sflag:s17] =	ssyncadd.s32 $0xFFFFFF80  }
0x153: {  	_ =	swait.ge [sflag:s17], $0x80  }
0x154: {  	[sflag:s17] =	ssyncset.done $0x0  }
0x155: {  	[sflag:s17] =	ssyncadd.s32 $0xFFFFFF80  }
0x156: {  	_ =	swait.ge [sflag:s17], $0x80  }
0x157: {  	[sflag:s17] =	ssyncset.done $0x0  }
0x158: {  	[sflag:s17] =	ssyncadd.s32 $0xFFFFFF80  }
0x159: {  	_ =	swait.ge [sflag:s17], $0x80  }
0x15a: {  	[sflag:s17] =	ssyncset.done $0x0  }
0x15b: {  	[sflag:s17] =	ssyncadd.s32 $0xFFFFFF80  }
0x15c: {  	_ =	swait.ge [sflag:s17], $0x80  }
0x15d: {  	[sflag:s17] =	ssyncset.done $0x0  }
0x15e: {  	[sflag:s17] =	ssyncadd.s32 $0xFFFFFF80  }
0x15f: {  	_ =	swait.ge [sflag:s17], $0x80  }
0x160: {  	[sflag:s17] =	ssyncset.done $0x0  }
0x161: {  	[sflag:s17] =	ssyncadd.s32 $0xFFFFFF80  }
0x162: {  	_ =	swait.ge [sflag:s17], $0x80  }
0x163: {  	[sflag:s17] =	ssyncset.done $0x0  }
0x164: {  	[sflag:s17] =	ssyncadd.s32 $0xFFFFFF80  }
0x165: {  	_ =	swait.ge [sflag:s17], $0x80  }
0x166: {  	[sflag:s17] =	ssyncset.done $0x0  }
0x167: {  	[sflag:s17] =	ssyncadd.s32 $0xFFFFFF80  }
0x168: {  	_ =	swait.ge [sflag:s17], $0x80  }
0x169: {  	[sflag:s17] =	ssyncset.done $0x0  }
0x16a: {  	[sflag:s17] =	ssyncadd.s32 $0xFFFFFF80  }
0x16b: {  	_ =	swait.ge [sflag:s17], $0x80  }
0x16c: {  	[sflag:s17] =	ssyncset.done $0x0  }
0x16d: {  	[sflag:s17] =	ssyncadd.s32 $0xFFFFFF80  }
0x16e: {  	_ =	swait.ge [sflag:s17], $0x80  }
0x16f: {  	[sflag:s17] =	ssyncset.done $0x0  }
0x170: {  	[sflag:s17] =	ssyncadd.s32 $0xFFFFFF80  }
0x171: {  	_ =	swait.ge [sflag:s17], $0x80  }
0x172: {  	[sflag:s17] =	ssyncset.done $0x0  }
0x173: {  	[sflag:s17] =	ssyncadd.s32 $0xFFFFFF80  }
0x174: {  	_ =	swait.ge [sflag:s17], $0x80  }
0x175: {  	[sflag:s17] =	ssyncset.done $0x0  }
0x176: {  	[sflag:s17] =	ssyncadd.s32 $0xFFFFFF80  }
0x177: {  	_ =	swait.ge [sflag:s17], $0x80  }
0x178: {  	[sflag:s17] =	ssyncset.done $0x0  }
0x179: {  	s26 =	simm.s32 $0x0;
	[sflag:s17] =	ssyncadd.s32 $0xFFFFFF80  }
0x17a: {  	v13 =	vld [tilespmem:s26+$0x5BE0];
	_ =	sdelay $0x1  }
0x17b: {  	v14 =	vld [tilespmem:s26+$0x5C60];
	_ =	sdelay $0x1  }
0x17c: {  	v15 =	vld [tilespmem:s26+$0x5CE0]  }
0x17d: {  	v13 =	vadd.f32 $0.0e+00, v13  }
0x17e: {  	v16 =	vld [tilespmem:s26+$0x5D60]  }
0x17f: {  	v13 =	vadd.f32 v14, v13  }
0x180: {  	v14 =	vld [tilespmem:s26+$0x5DE0]  }
0x181: {  	v13 =	vadd.f32 v15, v13  }
0x182: {  	v15 =	vld [tilespmem:s26+$0x5E60]  }
0x183: {  	v13 =	vadd.f32 v16, v13  }
0x184: {  	v16 =	vld [tilespmem:s26+$0x5EE0]  }
0x185: {  	v13 =	vadd.f32 v14, v13  }
0x186: {  	v14 =	vld [tilespmem:s26+$0x5F60]  }
0x187: {  	v13 =	vadd.f32 v15, v13  }
0x188: {  	v15 =	vld [tilespmem:s26+$0x5FE0]  }
0x189: {  	v13 =	vadd.f32 v16, v13  }
0x18a: {  	v16 =	vld [tilespmem:s26+$0x6060]  }
0x18b: {  	v13 =	vadd.f32 v14, v13  }
0x18c: {  	v14 =	vld [tilespmem:s26+$0x60E0]  }
0x18d: {  	v13 =	vadd.f32 v15, v13  }
0x18e: {  	v15 =	vld [tilespmem:s26+$0x6160]  }
0x18f: {  	v13 =	vadd.f32 v16, v13  }
0x190: {  	v16 =	vld [tilespmem:s26+$0x61E0]  }
0x191: {  	v13 =	vadd.f32 v14, v13  }
0x192: {  	v14 =	vld [tilespmem:s26+$0x6260]  }
0x193: {  	v13 =	vadd.f32 v15, v13  }
0x194: {  	v15 =	vld [tilespmem:s26+$0x62E0]  }
0x195: {  	v13 =	vadd.f32 v16, v13  }
0x196: {  	v16 =	vld [tilespmem:s26+$0x6360]  }
0x197: {  	v13 =	vadd.f32 v14, v13  }
0x198: {  	v14 =	vld [tilespmem:s26+$0x63E0]  }
0x199: {  	v13 =	vadd.f32 v15, v13  }
0x19a: {  	v15 =	vld [tilespmem:s26+$0x6460]  }
0x19b: {  	v17 =	vld [tilespmem:s26+$0x64E0];
	v13 =	vadd.f32 v16, v13  }
0x19c: {  	s25 =	simm.s32 $0x10;
	v18 =	vld [tilespmem:s26+$0x6560]  }
0x19d: {  	v19 =	vld [tilespmem:s25+$0x5BE0];
	v13 =	vadd.f32 v14, v13  }
0x19e: {  	v20 =	vld [tilespmem:s25+$0x5C60]  }
0x19f: {  	v21 =	vld [tilespmem:s25+$0x5CE0];
	v13 =	vadd.f32 v15, v13  }
0x1a0: {  	v15 =	vld [tilespmem:s26+$0x65E0]  }
0x1a1: {  	v22 =	vld [tilespmem:s26+$0x66E0];
	v13 =	vadd.f32 v17, v13  }
0x1a2: {  	v17 =	vld [tilespmem:s26+$0x6660]  }
0x1a3: {  	v23 =	vld [tilespmem:s25+$0x5D60];
	v19 =	vadd.f32 $0.0e+00, v19;
	v18 =	vadd.f32 v18, v13  }
0x1a4: {  	v24 =	vld [tilespmem:s25+$0x63E0]  }
0x1a5: {  	v19 =	vadd.f32 v20, v19;
	v20 =	vld [tilespmem:s25+$0x5DE0];
	v13 =	vmov s21;
	v15 =	vadd.f32 v15, v18  }
0x1a6: {  	v18 =	vld [tilespmem:s26+$0x6760]  }
0x1a7: {  	v16 =	vld [tilespmem:s26+$0x6860];
	v15 =	vadd.f32 v17, v15  }
0x1a8: {  	v19 =	vadd.f32 v21, v19;
	v14 =	vld [tilespmem:s26+$0x67E0]  }
0x1a9: {  	v17 =	vld [tilespmem:s25+$0x5E60];
	v15 =	vadd.f32 v22, v15  }
0x1aa: {  	v19 =	vadd.f32 v23, v19;
	v21 =	vld.idx.msk [tilespmem:v13+s26+$0xFFFFF400 ss:$0x1], $0xffff  }
0x1ab: {  	v22 =	vld [tilespmem:s25+$0x5EE0];
	v15 =	vadd.f32 v18, v15  }
0x1ac: {  	v19 =	vadd.f32 v20, v19;
	v18 =	vld.idx.msk [tilespmem:v13+s26+$0xFFFFF600 ss:$0x1], $0xffff  }
0x1ad: {  	v23 =	vld [tilespmem:s25+$0x5F60];
	v14 =	vadd.f32 v14, v15  }
0x1ae: {  	v17 =	vadd.f32 v17, v19;
	v15 =	vld.idx.msk [tilespmem:v13+s26+$0xFFFFF800 ss:$0x1], $0xffff  }
0x1af: {  	v20 =	vld [tilespmem:s25+$0x5FE0];
	v14 =	vadd.f32 v16, v14;
	v16 =	vmul.f32 v21, v0  }
0x1b0: {  	v19 =	vld.idx.msk [tilespmem:v13+s26+$0xFFFFFA00 ss:$0x1], $0xffff;
	v17 =	vadd.f32 v22, v17  }
0x1b1: {  	v21 =	vld [tilespmem:s25+$0x6060];
	v14 =	vadd.f32 v16, v14;
	v16 =	vmul.f32 v18, v1  }
0x1b2: {  	v17 =	vadd.f32 v23, v17;
	v18 =	vld.idx.msk [tilespmem:v13+s26+$0xFFFFFC00 ss:$0x1], $0xffff  }
0x1b3: {  	v22 =	vld [tilespmem:s25+$0x60E0];
	v15 =	vmul.f32 v15, v2;
	v14 =	vadd.f32 v16, v14  }
0x1b4: {  	v17 =	vadd.f32 v20, v17;
	v16 =	vld.idx.msk [tilespmem:v13+s26+$0xFFFFFE00 ss:$0x1], $0xffff  }
0x1b5: {  	v23 =	vld [tilespmem:s25+$0x6160];
	v14 =	vadd.f32 v15, v14;
	v15 =	vmul.f32 v19, v3  }
0x1b6: {  	v17 =	vadd.f32 v21, v17;
	v19 =	vld.idx.msk [tilespmem:v13+s26+$0x0 ss:$0x1], $0xffff  }
0x1b7: {  	v20 =	vld [tilespmem:s25+$0x61E0];
	v14 =	vadd.f32 v15, v14;
	v15 =	vmul.f32 v18, v4  }
0x1b8: {  	v17 =	vadd.f32 v22, v17;
	v18 =	vld.idx.msk [tilespmem:v13+s26+$0x200 ss:$0x1], $0xffff  }
0x1b9: {  	v21 =	vld [tilespmem:s25+$0x6260];
	v14 =	vadd.f32 v15, v14;
	v15 =	vmul.f32 v16, v5  }
0x1ba: {  	v17 =	vadd.f32 v23, v17;
	v16 =	vld.idx.msk [tilespmem:v13+s26+$0x400 ss:$0x1], $0xffff  }
0x1bb: {  	v22 =	vld [tilespmem:s25+$0x62E0];
	v14 =	vadd.f32 v15, v14;
	v15 =	vmul.f32 v19, v6  }
0x1bc: {  	v17 =	vadd.f32 v20, v17;
	v19 =	vld.idx.msk [tilespmem:v13+s26+$0x600 ss:$0x1], $0xffff  }
0x1bd: {  	v23 =	vld [tilespmem:s25+$0x6360];
	v14 =	vadd.f32 v15, v14;
	v15 =	vmul.f32 v18, v7  }
0x1be: {  	v20 =	vld.idx.msk [tilespmem:v13+s26+$0x800 ss:$0x1], $0xffff;
	v17 =	vadd.f32 v21, v17  }
0x1bf: {  	v25 =	vld.idx.msk [tilespmem:v13+s26+$0xA00 ss:$0x1], $0xffff;
	v14 =	vadd.f32 v15, v14;
	v15 =	vmul.f32 v16, v8  }
0x1c0: {  	v18 =	vadd.f32 v22, v17;
	v17 =	vld.idx.msk [tilespmem:v13+s26+$0xC00 ss:$0x1], $0xffff  }
0x1c1: {  	v16 =	vld [tilespmem:s25+$0x6460];
	v19 =	vmul.f32 v19, v9;
	v15 =	vadd.f32 v15, v14  }
0x1c2: {  	v21 =	vadd.f32 v23, v18;
	v18 =	vld [tilespmem:s25+$0x64E0]  }
0x1c3: {  	v23 =	vmul.f32 v20, v10;
	v14 =	vld [tilespmem:s25+$0x6860];
	v22 =	vadd.f32 v19, v15  }
0x1c4: {  	v20 =	vadd.f32 v24, v21;
	v15 =	vld [tilespmem:s25+$0x67E0]  }
0x1c5: {  	s28 =	simm.s32 $0x20;
	s29 =	simm.s32 $0xC0;
	v19 =	vld [tilespmem:s25+$0x6560];
	v21 =	vadd.f32 v23, v22;
	v22 =	vmul.f32 v25, v11  }
.LBB2_7:
0x1c6: {  	p0 =	sne.s32 s29, $0x1C0;
	v23 =	vld [tilespmem:s28+$0x5BE0];
	v16 =	vadd.f32 v16, v20  }
0x1c7: {  	v17 =	vmul.f32 v17, v12;
	v20 =	vld [tilespmem:s25+$0x65E0];
	v21 =	vadd.f32 v22, v21  }
0x1c8: {  	v22 =	vld [tilespmem:s28+$0x5C60];
	v16 =	vadd.f32 v18, v16  }
0x1c9: {  	v18 =	vld [tilespmem:s25+$0x6660];
	v17 =	vadd.f32 v17, v21  }
0x1ca: {  	v21 =	vld [tilespmem:s28+$0x5CE0];
	v16 =	vadd.f32 v19, v16  }
0x1cb: {  	v19 =	vadd.f32 $0.0e+00, v23;
	v23 =	vld [tilespmem:s25+$0x66E0];
	[tilespmem:s26+$0x1A0E0] =	vst v17;
	s26 =	smov.u32 s25;
	s25 =	smov.u32 s28  }
0x1cc: {  	v17 =	vld [tilespmem:s25+$0x5D60];
	v16 =	vadd.f32 v20, v16  }
0x1cd: {  	v19 =	vadd.f32 v22, v19;
	v20 =	vld [tilespmem:s26+$0x6760]  }
0x1ce: {  	v22 =	vld [tilespmem:s25+$0x5DE0];
	v16 =	vadd.f32 v18, v16  }
0x1cf: {  	v18 =	vadd.f32 v21, v19;
	v19 =	vld [tilespmem:s25+$0x5E60]  }
0x1d0: {  	v16 =	vadd.f32 v23, v16;
	v21 =	vld.idx.msk [tilespmem:v13+s26+$0xFFFFF400 ss:$0x1], $0xffff  }
0x1d1: {  	v17 =	vadd.f32 v17, v18;
	v18 =	vld [tilespmem:s25+$0x5EE0]  }
0x1d2: {  	v16 =	vadd.f32 v20, v16;
	v20 =	vld.idx.msk [tilespmem:v13+s26+$0xFFFFF600 ss:$0x1], $0xffff  }
0x1d3: {  	v17 =	vadd.f32 v22, v17;
	v22 =	vld [tilespmem:s25+$0x5F60]  }
0x1d4: {  	v15 =	vadd.f32 v15, v16;
	v16 =	vld.idx.msk [tilespmem:v13+s26+$0xFFFFF800 ss:$0x1], $0xffff  }
0x1d5: {  	v17 =	vadd.f32 v19, v17;
	v19 =	vld [tilespmem:s25+$0x5FE0]  }
0x1d6: {  	v14 =	vadd.f32 v14, v15;
	v15 =	vmul.f32 v21, v0;
	v21 =	vld.idx.msk [tilespmem:v13+s26+$0xFFFFFA00 ss:$0x1], $0xffff  }
0x1d7: {  	v17 =	vadd.f32 v18, v17;
	v18 =	vld [tilespmem:s25+$0x6060]  }
0x1d8: {  	v14 =	vadd.f32 v15, v14;
	v15 =	vmul.f32 v20, v1;
	v20 =	vld.idx.msk [tilespmem:v13+s26+$0xFFFFFC00 ss:$0x1], $0xffff  }
0x1d9: {  	v17 =	vadd.f32 v22, v17;
	v22 =	vld [tilespmem:s25+$0x60E0]  }
0x1da: {  	v14 =	vadd.f32 v15, v14;
	v15 =	vmul.f32 v16, v2;
	v16 =	vld.idx.msk [tilespmem:v13+s26+$0xFFFFFE00 ss:$0x1], $0xffff  }
0x1db: {  	v17 =	vadd.f32 v19, v17;
	v19 =	vld [tilespmem:s25+$0x6160]  }
0x1dc: {  	v14 =	vadd.f32 v15, v14;
	v15 =	vmul.f32 v21, v3;
	v21 =	vld.idx.msk [tilespmem:v13+s26+$0x0 ss:$0x1], $0xffff  }
0x1dd: {  	v17 =	vadd.f32 v18, v17;
	v18 =	vld [tilespmem:s25+$0x61E0]  }
0x1de: {  	v14 =	vadd.f32 v15, v14;
	v15 =	vmul.f32 v20, v4;
	v20 =	vld.idx.msk [tilespmem:v13+s26+$0x200 ss:$0x1], $0xffff  }
0x1df: {  	v17 =	vadd.f32 v22, v17;
	v22 =	vld [tilespmem:s25+$0x6260]  }
0x1e0: {  	v14 =	vadd.f32 v15, v14;
	v15 =	vmul.f32 v16, v5;
	v16 =	vld.idx.msk [tilespmem:v13+s26+$0x400 ss:$0x1], $0xffff  }
0x1e1: {  	v17 =	vadd.f32 v19, v17;
	v19 =	vld [tilespmem:s25+$0x62E0]  }
0x1e2: {  	v14 =	vadd.f32 v15, v14;
	v15 =	vmul.f32 v21, v6;
	v21 =	vld.idx.msk [tilespmem:v13+s26+$0x600 ss:$0x1], $0xffff  }
0x1e3: {  	v17 =	vadd.f32 v18, v17;
	v18 =	vld [tilespmem:s25+$0x6360]  }
0x1e4: {  	v14 =	vadd.f32 v15, v14;
	v15 =	vmul.f32 v20, v7;
	v20 =	vld.idx.msk [tilespmem:v13+s26+$0x800 ss:$0x1], $0xffff  }
0x1e5: {  	v17 =	vadd.f32 v22, v17;
	v22 =	vld [tilespmem:s25+$0x63E0]  }
0x1e6: {  	v14 =	vadd.f32 v15, v14;
	v15 =	vmul.f32 v16, v8;
	v23 =	vld.idx.msk [tilespmem:v13+s26+$0xA00 ss:$0x1], $0xffff  }
0x1e7: {  	v19 =	vadd.f32 v19, v17;
	v16 =	vld [tilespmem:s25+$0x6460]  }
.Ltmp2:
0x1e8: {  	v21 =	vmul.f32 v21, v9;
	v15 =	vadd.f32 v15, v14;
	v17 =	vld.idx.msk [tilespmem:v13+s26+$0xC00 ss:$0x1], $0xffff;
	(pc) =	sbr.rel @p0 .LBB2_7-.Ltmp2, $4  }
0x1e9: {  	v19 =	vadd.f32 v18, v19;
	v14 =	vld [tilespmem:s25+$0x6860]  }
0x1ea: {  	v24 =	vmul.f32 v20, v10;
	v18 =	vld [tilespmem:s25+$0x64E0];
	v21 =	vadd.f32 v21, v15  }
0x1eb: {  	v20 =	vadd.f32 v22, v19;
	v15 =	vld [tilespmem:s25+$0x67E0]  }
0x1ec: {  	s28 =	sshra.s32 s29, $0x2;
	s29 =	sadd.s32 $0x40, s29;
	v22 =	vmul.f32 v23, v11;
	v19 =	vld [tilespmem:s25+$0x6560];
	v21 =	vadd.f32 v24, v21  }
0x1ed: {  	v23 =	vld [tilespmem:s28+$0x5BE0]  }
0x1ee: {  	v24 =	vld [tilespmem:s25+$0x65E0];
	v16 =	vadd.f32 v16, v20;
	v17 =	vmul.f32 v17, v12;
	v51 =	vadd.f32 v22, v21  }
0x1ef: {  	v52 =	vld [tilespmem:s28+$0x5C60]  }
0x1f0: {  	v53 =	vld [tilespmem:s25+$0x6660];
	v16 =	vadd.f32 v18, v16;
	v17 =	vadd.f32 v17, v51  }
0x1f1: {  	v54 =	vld [tilespmem:s28+$0x5CE0]  }
0x1f2: {  	v55 =	vld [tilespmem:s25+$0x66E0];
	v16 =	vadd.f32 v19, v16;
	v56 =	vadd.f32 $0.0e+00, v23;
	[tilespmem:s26+$0x1A0E0] =	vst v17  }
0x1f3: {  	v17 =	vld [tilespmem:s28+$0x5D60]  }
0x1f4: {  	v16 =	vadd.f32 v24, v16;
	v57 =	vld [tilespmem:s25+$0x6760];
	v19 =	vadd.f32 v52, v56  }
0x1f5: {  	v58 =	vld [tilespmem:s28+$0x5DE0]  }
0x1f6: {  	v16 =	vadd.f32 v53, v16;
	v18 =	vadd.f32 v54, v19  }
0x1f7: {  	v59 =	vld [tilespmem:s28+$0x5E60]  }
0x1f8: {  	v60 =	vld.idx.msk [tilespmem:v13+s25+$0xFFFFF400 ss:$0x1], $0xffff;
	v16 =	vadd.f32 v55, v16;
	v17 =	vadd.f32 v17, v18  }
0x1f9: {  	v61 =	vld [tilespmem:s28+$0x5EE0]  }
0x1fa: {  	v62 =	vld.idx.msk [tilespmem:v13+s25+$0xFFFFF600 ss:$0x1], $0xffff;
	v16 =	vadd.f32 v57, v16;
	v17 =	vadd.f32 v58, v17  }
0x1fb: {  	v63 =	vld [tilespmem:s28+$0x5F60]  }
0x1fc: {  	v24 =	vld.idx.msk [tilespmem:v13+s25+$0xFFFFF800 ss:$0x1], $0xffff;
	v15 =	vadd.f32 v15, v16;
	v17 =	vadd.f32 v59, v17  }
0x1fd: {  	v25 =	vld [tilespmem:s28+$0x5FE0]  }
0x1fe: {  	v26 =	vld.idx.msk [tilespmem:v13+s25+$0xFFFFFA00 ss:$0x1], $0xffff;
	v14 =	vadd.f32 v14, v15;
	v15 =	vmul.f32 v60, v0;
	v17 =	vadd.f32 v61, v17  }
0x1ff: {  	v27 =	vld [tilespmem:s28+$0x6060]  }
0x200: {  	v28 =	vld.idx.msk [tilespmem:v13+s25+$0xFFFFFC00 ss:$0x1], $0xffff;
	v14 =	vadd.f32 v15, v14;
	v15 =	vmul.f32 v62, v1;
	v17 =	vadd.f32 v63, v17  }
0x201: {  	v29 =	vld [tilespmem:s28+$0x60E0]  }
0x202: {  	v30 =	vld.idx.msk [tilespmem:v13+s25+$0xFFFFFE00 ss:$0x1], $0xffff;
	v14 =	vadd.f32 v15, v14;
	v15 =	vmul.f32 v24, v2;
	v17 =	vadd.f32 v25, v17  }
0x203: {  	v31 =	vld [tilespmem:s28+$0x6160]  }
0x204: {  	v32 =	vld.idx.msk [tilespmem:v13+s25+$0x0 ss:$0x1], $0xffff;
	v14 =	vadd.f32 v15, v14;
	v15 =	vmul.f32 v26, v3;
	v17 =	vadd.f32 v27, v17  }
0x205: {  	v33 =	vld [tilespmem:s28+$0x61E0]  }
0x206: {  	v34 =	vld.idx.msk [tilespmem:v13+s25+$0x200 ss:$0x1], $0xffff;
	v14 =	vadd.f32 v15, v14;
	v15 =	vmul.f32 v28, v4;
	v17 =	vadd.f32 v29, v17  }
0x207: {  	v35 =	vld [tilespmem:s28+$0x6260]  }
0x208: {  	v36 =	vld.idx.msk [tilespmem:v13+s25+$0x400 ss:$0x1], $0xffff;
	v14 =	vadd.f32 v15, v14;
	v15 =	vmul.f32 v30, v5;
	v17 =	vadd.f32 v31, v17  }
0x209: {  	v37 =	vld [tilespmem:s28+$0x62E0]  }
0x20a: {  	v38 =	vld.idx.msk [tilespmem:v13+s25+$0x600 ss:$0x1], $0xffff;
	v14 =	vadd.f32 v15, v14;
	v15 =	vmul.f32 v32, v6;
	v17 =	vadd.f32 v33, v17  }
0x20b: {  	v39 =	vld [tilespmem:s28+$0x6360]  }
0x20c: {  	v40 =	vld.idx.msk [tilespmem:v13+s25+$0x800 ss:$0x1], $0xffff;
	v14 =	vadd.f32 v15, v14;
	v15 =	vmul.f32 v34, v7;
	v17 =	vadd.f32 v35, v17  }
0x20d: {  	v41 =	vld [tilespmem:s28+$0x63E0]  }
0x20e: {  	v42 =	vld.idx.msk [tilespmem:v13+s25+$0xA00 ss:$0x1], $0xffff;
	v14 =	vadd.f32 v15, v14;
	v15 =	vmul.f32 v36, v8;
	v17 =	vadd.f32 v37, v17  }
0x20f: {  	v43 =	vld [tilespmem:s28+$0x6460]  }
0x210: {  	v44 =	vld.idx.msk [tilespmem:v13+s25+$0xC00 ss:$0x1], $0xffff;
	v14 =	vadd.f32 v15, v14;
	v15 =	vmul.f32 v38, v9;
	v17 =	vadd.f32 v39, v17  }
0x211: {  	v45 =	vld [tilespmem:s28+$0x64E0]  }
0x212: {  	v14 =	vadd.f32 v15, v14;
	v15 =	vmul.f32 v40, v10;
	v17 =	vadd.f32 v41, v17  }
0x213: {  	v46 =	vld [tilespmem:s28+$0x6560]  }
0x214: {  	v14 =	vadd.f32 v15, v14;
	v15 =	vmul.f32 v42, v11;
	v47 =	vadd.f32 v43, v17  }
0x215: {  	v48 =	vld [tilespmem:s28+$0x65E0]  }
0x216: {  	v14 =	vadd.f32 v15, v14;
	v15 =	vmul.f32 v44, v12;
	v16 =	vadd.f32 v45, v47  }
0x217: {  	v50 =	vld [tilespmem:s28+$0x6660]  }
0x218: {  	v49 =	vld [tilespmem:s28+$0x6860];
	v14 =	vadd.f32 v15, v14;
	v15 =	vadd.f32 v46, v16  }
0x219: {  	v52 =	vld [tilespmem:s28+$0x66E0]  }
0x21a: {  	v51 =	vld [tilespmem:s28+$0x67E0];
	[tilespmem:s25+$0x1A0E0] =	vst v14;
	v14 =	vadd.f32 v48, v15  }
0x21b: {  	v15 =	vld [tilespmem:s28+$0x6760]  }
0x21c: {  	v14 =	vadd.f32 v50, v14;
	_ =	sdelay $0x1  }
0x21d: {  	v14 =	vadd.f32 v52, v14  }
0x21e: {  	v53 =	vld.idx.msk [tilespmem:v13+s28+$0xFFFFF400 ss:$0x1], $0xffff  }
0x21f: {  	v14 =	vadd.f32 v15, v14  }
0x220: {  	v15 =	vld.idx.msk [tilespmem:v13+s28+$0xFFFFF600 ss:$0x1], $0xffff  }
0x221: {  	v14 =	vadd.f32 v51, v14  }
0x222: {  	v54 =	vld.idx.msk [tilespmem:v13+s28+$0xFFFFF800 ss:$0x1], $0xffff  }
0x223: {  	v16 =	vmul.f32 v53, v0;
	v14 =	vadd.f32 v49, v14  }
0x224: {  	v55 =	vld.idx.msk [tilespmem:v13+s28+$0xFFFFFA00 ss:$0x1], $0xffff  }
0x225: {  	v15 =	vmul.f32 v15, v1;
	v14 =	vadd.f32 v16, v14  }
0x226: {  	v56 =	vld.idx.msk [tilespmem:v13+s28+$0xFFFFFC00 ss:$0x1], $0xffff  }
0x227: {  	v14 =	vadd.f32 v15, v14;
	v15 =	vmul.f32 v54, v2  }
0x228: {  	v57 =	vld.idx.msk [tilespmem:v13+s28+$0xFFFFFE00 ss:$0x1], $0xffff  }
0x229: {  	v14 =	vadd.f32 v15, v14;
	v15 =	vmul.f32 v55, v3  }
0x22a: {  	v58 =	vld.idx.msk [tilespmem:v13+s28+$0x0 ss:$0x1], $0xffff  }
0x22b: {  	v14 =	vadd.f32 v15, v14;
	v15 =	vmul.f32 v56, v4  }
0x22c: {  	v59 =	vld.idx.msk [tilespmem:v13+s28+$0x200 ss:$0x1], $0xffff  }
0x22d: {  	v14 =	vadd.f32 v15, v14;
	v15 =	vmul.f32 v57, v5  }
0x22e: {  	v60 =	vld.idx.msk [tilespmem:v13+s28+$0x400 ss:$0x1], $0xffff  }
0x22f: {  	v14 =	vadd.f32 v15, v14;
	v15 =	vmul.f32 v58, v6  }
0x230: {  	v61 =	vld.idx.msk [tilespmem:v13+s28+$0x600 ss:$0x1], $0xffff  }
0x231: {  	v14 =	vadd.f32 v15, v14;
	v15 =	vmul.f32 v59, v7  }
0x232: {  	v62 =	vld.idx.msk [tilespmem:v13+s28+$0x800 ss:$0x1], $0xffff  }
0x233: {  	v14 =	vadd.f32 v15, v14;
	v15 =	vmul.f32 v60, v8  }
0x234: {  	v63 =	vld.idx.msk [tilespmem:v13+s28+$0xA00 ss:$0x1], $0xffff  }
0x235: {  	v14 =	vadd.f32 v15, v14;
	v15 =	vmul.f32 v61, v9  }
0x236: {  	v13 =	vld.idx.msk [tilespmem:v13+s28+$0xC00 ss:$0x1], $0xffff  }
0x237: {  	v14 =	vadd.f32 v15, v14;
	v15 =	vmul.f32 v62, v10;
	_ =	sdelay $0x1  }
0x238: {  	v14 =	vadd.f32 v15, v14;
	v15 =	vmul.f32 v63, v11;
	_ =	sdelay $0x1  }
0x239: {  	v13 =	vmul.f32 v13, v12;
	v14 =	vadd.f32 v15, v14;
	_ =	sdelay $0x1  }
0x23a: {  	v13 =	vadd.f32 v13, v14;
	_ =	sdelay $0x1  }
0x23b: {  	[tilespmem:s28+$0x1A0E0] =	vst v13  }
0x23c: {  	_ =	swait.ge [sflag:s18], $0xD000  }
0x23d: {  	[sflag:s18] =	ssyncset.done $0x0  }
0x23e: {  	[sflag:s18] =	ssyncadd.s32 $0xFFFF3000  }
0x23f: {  	s29 =	simm.s32 $0x0;
	s14 =	simm.s32 $0x0;
	s0 =	rddreg [dreg:$0x3]  }
0x240: {  	s15 =	simm.s32 $0x0;
	s2 =	sadd.s32 s0, s24;
	s0 =	sand.u32 $0x1, s29  }
0x241: {  	s15 =	sand.u32 $0x3FFFF800, s15;
	s30 =	sshll.u32 s0, $0xE;
	s0 =	sshll.u32 s0, $0xA  }
0x242: {  	s14 =	sand.u32 $0xFFFF8000, s14;
	s31 =	sadd.s32 s30, s2;
	s15 =	sor.u32 s0, s15  }
0x243: {  	s25 =	simm.s32 $0x1;
	s0 =	sadd.s32 s14, s31;
	s14 =	sadd.s32 $0x68E0, s15  }
.LBB2_9:
0x244: {  	[hbm4b:s0+s5] =	stream.linear.scatter [tilespmem:s14], [sflag:$0x3], $0x400, $0x38;
	[tilespmem:$0x1A160] =	vst v63  }
0x245: {  	s0 =	smov.u32 s25;
	p0 =	sne.s32 s25, $0x4D  }
.Ltmp3:
0x246: {  	s25 =	sadd.s32 $0x1, s25;
	(pc) =	sbr.rel @p0 .LBB2_9-.Ltmp3, $4  }
0x247: {  	s14 =	sshll.u32 s0, $0xE;
	s15 =	sand.u32 $0x1, s0;
	s0 =	sshll.u32 s0, $0xA  }
0x248: {  	s26 =	sshll.u32 s15, $0xE;
	s0 =	sand.u32 $0x3FFFF800, s0;
	s15 =	sshll.u32 s15, $0xA  }
0x249: {  	s14 =	sand.u32 $0xFFFF8000, s14;
	s26 =	sadd.s32 s26, s2;
	s15 =	sor.u32 s15, s0  }
0x24a: {  	s0 =	sadd.s32 s14, s26;
	s14 =	sadd.s32 $0x68E0, s15  }
0x24b: {  	s23 =	sadd.s32 $0x1, s23  }
0x24c: {  	p0 =	sne.s32 s23, $0x4  }
.Ltmp4:
0x24d: {  	_ = 	snop;
	(pc) =	sbr.rel @p0 .LBB2_2-.Ltmp4, $4  }
0x24e: {  	[hbm4b:s0+s5] =	stream.linear.scatter [tilespmem:s14], [sflag:$0x3], $0x400, $0x38;
	[tilespmem:$0x1A160] =	vst v63  }
0x24f: {  	s31 =	sshrl.u32 s24, $0x3;
	s2 =	rddreg [dreg:$0x2];
	s22 =	sadd.s32 $0x80, s22  }
0x250: {  	s20 =	sadd.s32 $0x80, s20;
	s21 =	sadd.s32 $0x80, s21;
	s0 =	sadd.s32 s2, s31  }
0x251: {  	[hbm4b:s0+s5] =	stream.linear.scatter [tilespmem:s19], [sflag:$0x3], $0x80, $0x38;
	[tilespmem:$0x1A160] =	vst v63  }
0x252: {  	s2 =	simm.s32 $0x3  }
0x253: {  	_ =	swait.ge [sflag:s2], $0x13800  }
0x254: {  	[sflag:s2] =	ssyncset.done $0x0  }
0x255: {  	[sflag:s2] =	ssyncadd.s32 $0xFFFEC800  }
0x256: {  	_ =	swait.ge [sflag:s2], $0x80  }
0x257: {  	s14 =	rddreg [dreg:$0xa]  }
0x258: {  	s0 =	rddreg [dreg:$0x9];
	s14 =	sadd.s32 $0x1, s14  }
0x259: {  	p0 =	sne.s32 s14, s0  }
.Ltmp5:
0x25a: {  	_ = 	snop;
	(pc) =	sbr.rel @p0 .LBB2_1-.Ltmp5, $3  }
0x25b: {  	_ =	sdelay $0x1  }
0x25c: {  	[sflag:s2] =	ssyncset.done $0x0  }
0x25d: {  	[sflag:s2] =	ssyncadd.s32 $0xFFFFFF80  }
0x25e: {  	_ =	sfence.sel $0x180000  }
0x25f: {  	[bflag:$0x0] =	sbarrier.arrive $0xFFFF  }
0x260: {  	_ =	strace $0x90000047  }
0x261: {  	s0 =	stileid.u32;
	[bflag:$0x2] =	sbarrier.arrive $0xFFFF  }
0x262: {  	p0 =	sne.s32 s0, $0x0;
	s0 =	rddreg [dreg:$0x4]  }
0x263: {  	s0 =	sadd.s32 @!p0 $0x100000, s0  }
0x264: {  	[sflag:s0] =	ssyncadd.tile.s32 @!p0 $0x1;
	_ =	shalt  }
.Lfunc_end2:
_tile_overlayer_lowered:
.L_overlay_start_2:
0x265: {  	(tag) =	ssettag $0x2  }
0x266: {  	s0 =	rddreg [dreg:$0x0];
	s2 =	stileid.u32  }
0x267: {  	s1 =	rddreg [dreg:$0x1];
	p0 =	sne.s32 s2, $0x0  }
0x268: {  	s3 =	rddreg [dreg:$0x2];
	[bflag:$0x3] =	sbarrier.arrive $0xFFFF;
	s2 =	simm.s32 @!p0 $0x1C04  }
0x269: {  	[timem:s3], [sflag:s2] =	dma.local @!p0 [hbm:s0], s1  }
0x26a: {  	s0 =	simm.s32 @!p0 $0x4  }
0x26b: {  	_ =	swait.ge @!p0 [sflag:s0], s1  }
0x26c: {  	s1 =	ssub.s32 @!p0 $0x0, s1;
	[sflag:s0] =	ssyncset.done @!p0 $0x0  }
0x26d: {  	[sflag:s0] =	ssyncadd.s32 @!p0 s1  }
0x26e: {  	[bflag:$0x3] =	sbarrier.arrive $0xFFFF  }
0x26f: {  	_ =	shalt  }

</sc_bundles>
